<compile_context>
chip_gen: v7x
topology: tpu7x:2x2x1
jax: 0.10.2.dev20260603
libtpu: 0.0.44.dev20260713+nightly
codegen_flags: <defaults>
</compile_context>

<pallas_src>
import functools

import jax
import jax.numpy as jnp
from jax import lax
from jax.experimental import pallas as pl
from jax.experimental.pallas import tpu as pltpu
from jax.experimental.pallas import tpu_sc as plsc


def _gelu(x):
    return 0.5 * x * (1.0 + jnp.tanh(0.7978845608028654 * (x + 0.044715 * x * x * x)))


def _stats_kernel(x_ref, mr_ref, W0_ref, b0_ref, w1_ref,
                  W2_ref, b2_ref, w3_ref, cols_ref, marow_ref):
    x = x_ref[0]
    s = x.shape[0]
    w1 = w1_ref[...]
    w3 = w3_ref[...]
    mrowf = mr_ref[0].astype(jnp.float32)
    mrowb = mrowf > 0.0

    xw = jnp.dot(x.astype(jnp.bfloat16), W0_ref[...].astype(jnp.bfloat16),
                 preferred_element_type=jnp.float32)
    h = _gelu(xw + b0_ref[...])

    cdims = (((1,), (1,)), ((), ()))
    sl = jax.lax.dot_general(w1, h, cdims, preferred_element_type=jnp.float32)
    a_row = jax.lax.dot_general(w3, h, cdims,
                                preferred_element_type=jnp.float32)
    sc = _gelu(jnp.dot(h, W2_ref[...],
                       preferred_element_type=jnp.float32) + b2_ref[...])
    c_row = jax.lax.dot_general(w3, sc, cdims,
                                preferred_element_type=jnp.float32)

    slm = mrowf * sl + (mrowf - 1.0) * 10.0
    m1 = jnp.max(slm)
    z1 = jnp.sum(jnp.exp(slm - m1))
    slp = (m1 + jnp.log(z1)) - slm

    neg = jnp.float32(-1e30)
    ma = jnp.max(jnp.where(mrowb, a_row, neg))
    mc = jnp.max(jnp.where(mrowb, c_row, neg))
    m2 = jnp.maximum(ma + mc, -10.0)
    ea = jnp.where(mrowb, jnp.exp(a_row - ma), 0.0)
    ec = jnp.where(mrowb, jnp.exp(c_row - mc), 0.0)

    pad = jnp.zeros_like(mrowf)
    stack = jnp.concatenate(
        [ea, mrowf, ec, pad, pad, pad, pad, pad], axis=0)
    colsT = jnp.transpose(stack, (1, 0))
    ea_c = colsT[:, 0:1]
    ec_c = colsT[:, 2:3]

    ii = jax.lax.broadcasted_iota(jnp.int32, (s, s), 0)
    jj = jax.lax.broadcasted_iota(jnp.int32, (s, s), 1)
    tri_f = jnp.where(jj >= ii, 1.0, 0.0)
    sa_c = jax.lax.dot_general(tri_f, ea_c, (((1,), (0,)), ((), ())),
                               preferred_element_type=jnp.float32)
    z2p = jnp.sum(ec_c * sa_c)
    p = jnp.sum(mrowf)
    npairs = 0.5 * p * (p + 1.0)
    z2 = z2p * jnp.exp((ma + mc) - m2) \
        + (s * s - npairs) * jnp.exp(-10.0 - m2)
    lse2 = m2 + jnp.log(z2)

    ut_row = slp + (lse2 + 10.0)
    d_row = c_row + 10.0
    stack2 = jnp.concatenate(
        [ut_row, d_row, mrowf] + [pad] * 13, axis=0)
    cols_ref[0] = jnp.transpose(stack2, (1, 0))
    marow_ref[0] = jnp.concatenate([a_row, mrowf], axis=0)


def _make_emit(B, S):
    NC, NS = 2, 16
    NW = NC * NS
    RPW = (B * S) // NW
    NCHUNK = S // 16

    mesh = plsc.VectorSubcoreMesh(core_axis_name="c", subcore_axis_name="s")

    @functools.partial(
        pl.kernel, mesh=mesh,
        out_type=jax.ShapeDtypeStruct((B * S, S), jnp.float32),
        scratch_types=[
            pltpu.VMEM((RPW, S), jnp.float32),
            pltpu.VMEM((2, S), jnp.float32),
            pltpu.VMEM((RPW, 16), jnp.float32),
            pltpu.VMEM((S,), jnp.float32),
        ],
    )
    def emit(cols_hbm, marow_hbm, out_hbm, rows_v, ma_v, cols_v, am_v):
        wid = lax.axis_index("s") * NC + lax.axis_index("c")
        base = wid * RPW
        b = base // S
        i0 = base - b * S
        pltpu.sync_copy(cols_hbm.at[pl.ds(base, RPW)], cols_v)
        pltpu.sync_copy(marow_hbm.at[b], ma_v)
        jiota = lax.iota(jnp.int32, 16)

        for c in range(NCHUNK):
            am_v[pl.ds(c * 16, 16)] = \
                ma_v[0, pl.ds(c * 16, 16)] * ma_v[1, pl.ds(c * 16, 16)]

        def row_body(rl, _):
            ig = i0 + rl
            cv = cols_v[rl, pl.ds(0, 16)]
            ut_i = cv[0]
            mi_f = cv[2]
            dd = mi_f * cv[1]

            for c in range(NCHUNK):
                av = am_v[pl.ds(c * 16, 16)]
                mv = ma_v[1, pl.ds(c * 16, 16)]
                jv = jiota + c * 16
                full = dd * mv + mi_f * av
                rows_v[rl, pl.ds(c * 16, 16)] = \
                    ut_i - jnp.where(jv >= ig, full, 0.0)
            return 0

        lax.fori_loop(0, RPW, row_body, 0)
        pltpu.sync_copy(rows_v, out_hbm.at[pl.ds(base, RPW)])

    return emit


@jax.jit
def kernel(inputs, mask, W0, b0, w1, W2, b2, w3):
    B, S, D = inputs.shape
    U = W0.shape[1]
    mr = mask.reshape(B, 1, S)
    cols, marow = pl.pallas_call(
        _stats_kernel,
        grid=(B,),
        in_specs=[
            pl.BlockSpec((1, S, D), lambda b: (b, 0, 0)),
            pl.BlockSpec((1, 1, S), lambda b: (b, 0, 0)),
            pl.BlockSpec((D, U), lambda b: (0, 0)),
            pl.BlockSpec((1, U), lambda b: (0, 0)),
            pl.BlockSpec((1, U), lambda b: (0, 0)),
            pl.BlockSpec((U, U), lambda b: (0, 0)),
            pl.BlockSpec((1, U), lambda b: (0, 0)),
            pl.BlockSpec((1, U), lambda b: (0, 0)),
        ],
        out_specs=[
            pl.BlockSpec((1, S, 16), lambda b: (b, 0, 0)),
            pl.BlockSpec((1, 2, S), lambda b: (b, 0, 0)),
        ],
        out_shape=[
            jax.ShapeDtypeStruct((B, S, 16), jnp.float32),
            jax.ShapeDtypeStruct((B, 2, S), jnp.float32),
        ],
    )(inputs, mr, W0, b0.reshape(1, U), w1.reshape(1, U),
      W2, b2.reshape(1, U), w3.reshape(1, U))

    out = _make_emit(B, S)(cols.reshape(B * S, 16), marow)
    return out.reshape(B, S, S)

# --- scband reference (transcript-rebuilt; emitter-appended) ---
"""Pipeline reference for scband-answer-finder-85933705659094 (READ-ONLY COPY).

The authoritative reference and input builder live on the scoring server;
editing this copy changes nothing except your own understanding.
"""

import jax, jax.numpy as jnp
import numpy as np


def setup_inputs(seed: int = 0) -> dict:
    key = jax.random.key(seed)
    ks = jax.random.split(key, 8)
    B, S, D, U = 4, 512, 768, 64
    inputs = jax.random.normal(ks[0], (B, S, D), dtype=jnp.float32)
    mask = jax.random.randint(ks[1], (B, S), 0, 2).astype(bool)
    W0 = jax.random.normal(ks[2], (D, U), dtype=jnp.float32) * (1.0 / np.sqrt(D))
    b0 = jnp.zeros((U,), jnp.float32)
    w1 = jax.random.normal(ks[3], (U, 1), dtype=jnp.float32) * (1.0 / np.sqrt(U))
    W2 = jax.random.normal(ks[4], (U, U), dtype=jnp.float32) * (1.0 / np.sqrt(U))
    b2 = jnp.zeros((U,), jnp.float32)
    w3 = jax.random.normal(ks[5], (U, 1), dtype=jnp.float32) * (1.0 / np.sqrt(U))
    return {"inputs": inputs, "mask": mask, "W0": W0, "b0": b0, "w1": w1, "W2": W2, "b2": b2, "w3": w3}


def reference(inputs, mask, W0, b0, w1, W2, b2, w3):
    B, S, D = inputs.shape
    mf = mask.astype(jnp.float32)
    # boolean_mask -> dense -> scatter_nd back == dense everywhere, zeroed at masked-out rows
    h = jax.nn.gelu(inputs @ W0 + b0, approximate=True) * mf[:, :, None]
    # dense_1 (no bias): start logits, zero at masked positions (scatter_nd semantics)
    start_logits = (h @ w1)[..., 0] * mf
    # dense_2 conditional features, scattered back to dense layout
    start_cond = jax.nn.gelu(h @ W2 + b2, approximate=True) * mf[:, :, None]
    # second_inputs[b, i, j, :] = h[b, j, :] + start_cond[b, i, :]
    second_inputs = h[:, None, :, :] + start_cond[:, :, None, :]
    # logical_not(sequence_mask(range(S), S)) -> tri[i, j] = (j >= i)
    tri = jnp.arange(S)[None, :] >= jnp.arange(S)[:, None]
    second_mask = mask[:, :, None] & tri[None, :, :] & mask[:, None, :]
    smf = second_mask.astype(jnp.float32)
    # dense_3 (no bias) on masked pairs, scattered back (zeros elsewhere)
    raw_end = (second_inputs @ w3)[..., 0]
    end_logits = raw_end * smf
    start_logits = start_logits * mf + (1.0 - mf) * (-10.0)
    end_logits = end_logits * smf + (1.0 - smf) * (-10.0)
    start_probs = jax.nn.softmax(start_logits, axis=-1)
    end_probs = jax.nn.softmax(end_logits.reshape(B, S * S), axis=-1).reshape(B, S, S)
    start_logprob = -jnp.log(start_probs)
    end_logprob = -jnp.log(end_probs)
    whole_logprob = start_logprob[:, :, None] + end_logprob
    return whole_logprob

if __name__ == "__main__":
    import jax
    _d = setup_inputs()
    print(jax.jit(kernel)(*tuple(_d.values())))

</pallas_src>

<mosaic_0001>
#map = affine_map<(d0, d1) -> (0, 0)>
#map1 = affine_map<(d0, d1) -> (0, 0, 0)>
module attributes {stable_mosaic.version = 14 : i64} {
  func.func @emit(%arg0: i32, %arg1: i32, %arg2: memref<2048x16xf32, #tpu.memory_space<hbm>>, %arg3: memref<4x2x512xf32, #tpu.memory_space<hbm>>, %arg4: memref<2048x512xf32, #tpu.memory_space<hbm>>, %arg5: memref<64x512xf32, #tpu.memory_space<vmem>>, %arg6: memref<2x512xf32, #tpu.memory_space<vmem>>, %arg7: memref<64x16xf32, #tpu.memory_space<vmem>>, %arg8: memref<512xf32, #tpu.memory_space<vmem>>) attributes {dimension_semantics = [#tpu.dimension_semantics<core_parallel>, #tpu.dimension_semantics<subcore_parallel>], iteration_bounds = array<i64: 2, 16>, scalar_prefetch = 0 : i64, scratch_operands = 4 : i64, tpu.core_type = #tpu.core_type<sc_vector_subcore>, window_params = [{transform_indices = #map}, {transform_indices = #map1}, {transform_indices = #map}]} {
    %mul3A = arith.constant 2 : i32
    %mul3A_0 = arith.muli %arg1, %mul3A : i32
    %add3A = arith.addi %mul3A_0, %arg0 : i32
    %mul3A_1 = arith.constant 64 : i32
    %mul3A_2 = arith.muli %add3A, %mul3A_1 : i32
    %jit3A = arith.constant 512 : i32
    %div3A = arith.divsi %mul3A_2, %jit3A : i32
    %sign3A = arith.constant 0 : i32
    %sign3A_3 = arith.cmpi sgt, %mul3A_2, %sign3A : i32
    %sign3A_4 = arith.extui %sign3A_3 : i1 to i32
    %sign3A_5 = arith.constant 0 : i32
    %sign3A_6 = arith.cmpi slt, %mul3A_2, %sign3A_5 : i32
    %sign3A_7 = arith.extui %sign3A_6 : i1 to i32
    %sign3A_8 = arith.subi %sign3A_4, %sign3A_7 : i32
    %sign3A_9 = arith.constant 0 : i32
    %sign3A_10 = arith.cmpi sgt, %jit3A, %sign3A_9 : i32
    %sign3A_11 = arith.extui %sign3A_10 : i1 to i32
    %sign3A_12 = arith.constant 0 : i32
    %sign3A_13 = arith.cmpi slt, %jit3A, %sign3A_12 : i32
    %sign3A_14 = arith.extui %sign3A_13 : i1 to i32
    %sign3A_15 = arith.subi %sign3A_11, %sign3A_14 : i32
    %ne3A = arith.cmpi ne, %sign3A_8, %sign3A_15 : i32
    %rem3A = arith.remsi %mul3A_2, %jit3A : i32
    %ne3A_16 = arith.constant 0 : i32
    %ne3A_17 = arith.cmpi ne, %rem3A, %ne3A_16 : i32
    %and3A = arith.andi %ne3A, %ne3A_17 : i1
    %sub3A = arith.constant 1 : i32
    %sub3A_18 = arith.subi %div3A, %sub3A : i32
    %select_n3A = arith.select %and3A, %sub3A_18, %div3A : i32
    %mul3A_19 = arith.constant 512 : i32
    %mul3A_20 = arith.muli %select_n3A, %mul3A_19 : i32
    %sub3A_21 = arith.subi %mul3A_2, %mul3A_20 : i32
    "tpu.region"() ({
      %run_scoped3A = tpu.sem_alloc : memref<!tpu.dma_semaphore, #tpu.memory_space<semaphore_mem>>
      %dma_start3A = arith.constant 0 : i32
      %dma_start3A_506 = tpu.memref_slice %arg2[%mul3A_2, %dma_start3A] : memref<2048x16xf32, #tpu.memory_space<hbm>> -> memref<64x16xf32, #tpu.memory_space<hbm>>
      %dma_start3A_507 = arith.constant 0 : i32
      %dma_start3A_508 = tpu.memref_slice %arg2[%mul3A_2, %dma_start3A_507] : memref<2048x16xf32, #tpu.memory_space<hbm>> -> memref<64x16xf32, #tpu.memory_space<hbm>>
      tpu.enqueue_dma source(%dma_start3A_508 : memref<64x16xf32, #tpu.memory_space<hbm>>) target(%arg7 : memref<64x16xf32, #tpu.memory_space<vmem>>) target_semaphore(%run_scoped3A : memref<!tpu.dma_semaphore, #tpu.memory_space<semaphore_mem>>)
      %dma_wait3A = arith.constant 0 : i32
      %dma_wait3A_509 = tpu.memref_slice %arg2[%mul3A_2, %dma_wait3A] : memref<2048x16xf32, #tpu.memory_space<hbm>> -> memref<64x16xf32, #tpu.memory_space<hbm>>
      %dma_wait3A_510 = arith.constant 0 : i32
      %dma_wait3A_511 = tpu.memref_slice %arg2[%mul3A_2, %dma_wait3A_510] : memref<2048x16xf32, #tpu.memory_space<hbm>> -> memref<64x16xf32, #tpu.memory_space<hbm>>
      tpu.wait_dma2 semaphore(%run_scoped3A : memref<!tpu.dma_semaphore, #tpu.memory_space<semaphore_mem>>) src(%dma_wait3A_511 : memref<64x16xf32, #tpu.memory_space<hbm>>) dst(%arg7 : memref<64x16xf32, #tpu.memory_space<vmem>>)
      tpu.yield
    }) : () -> ()
    "tpu.region"() ({
      %run_scoped3A = tpu.sem_alloc : memref<!tpu.dma_semaphore, #tpu.memory_space<semaphore_mem>>
      %dma_start3A = arith.constant 0 : i32
      %dma_start3A_506 = arith.constant 0 : i32
      %dma_start3A_507 = tpu.memref_slice %arg3[%select_n3A, %dma_start3A, %dma_start3A_506] : memref<4x2x512xf32, #tpu.memory_space<hbm>> -> memref<1x2x512xf32, #tpu.memory_space<hbm>>
      %dma_start3A_508 = tpu.memref_squeeze %dma_start3A_507 : memref<1x2x512xf32, #tpu.memory_space<hbm>> -> memref<2x512xf32, #tpu.memory_space<hbm>>
      %dma_start3A_509 = arith.constant 0 : i32
      %dma_start3A_510 = arith.constant 0 : i32
      %dma_start3A_511 = tpu.memref_slice %arg3[%select_n3A, %dma_start3A_509, %dma_start3A_510] : memref<4x2x512xf32, #tpu.memory_space<hbm>> -> memref<1x2x512xf32, #tpu.memory_space<hbm>>
      %dma_start3A_512 = tpu.memref_squeeze %dma_start3A_511 : memref<1x2x512xf32, #tpu.memory_space<hbm>> -> memref<2x512xf32, #tpu.memory_space<hbm>>
      tpu.enqueue_dma source(%dma_start3A_512 : memref<2x512xf32, #tpu.memory_space<hbm>>) target(%arg6 : memref<2x512xf32, #tpu.memory_space<vmem>>) target_semaphore(%run_scoped3A : memref<!tpu.dma_semaphore, #tpu.memory_space<semaphore_mem>>)
      %dma_wait3A = arith.constant 0 : i32
      %dma_wait3A_513 = arith.constant 0 : i32
      %dma_wait3A_514 = tpu.memref_slice %arg3[%select_n3A, %dma_wait3A, %dma_wait3A_513] : memref<4x2x512xf32, #tpu.memory_space<hbm>> -> memref<1x2x512xf32, #tpu.memory_space<hbm>>
      %dma_wait3A_515 = tpu.memref_squeeze %dma_wait3A_514 : memref<1x2x512xf32, #tpu.memory_space<hbm>> -> memref<2x512xf32, #tpu.memory_space<hbm>>
      %dma_wait3A_516 = arith.constant 0 : i32
      %dma_wait3A_517 = arith.constant 0 : i32
      %dma_wait3A_518 = tpu.memref_slice %arg3[%select_n3A, %dma_wait3A_516, %dma_wait3A_517] : memref<4x2x512xf32, #tpu.memory_space<hbm>> -> memref<1x2x512xf32, #tpu.memory_space<hbm>>
      %dma_wait3A_519 = tpu.memref_squeeze %dma_wait3A_518 : memref<1x2x512xf32, #tpu.memory_space<hbm>> -> memref<2x512xf32, #tpu.memory_space<hbm>>
      tpu.wait_dma2 semaphore(%run_scoped3A : memref<!tpu.dma_semaphore, #tpu.memory_space<semaphore_mem>>) src(%dma_wait3A_519 : memref<2x512xf32, #tpu.memory_space<hbm>>) dst(%arg6 : memref<2x512xf32, #tpu.memory_space<vmem>>)
      tpu.yield
    }) : () -> ()
    %iota3A = tpu.iota {dimensions = array<i32: 0>} : vector<16xi32>
    %get3A = arith.constant 0 : i32
    %get3A_22 = arith.index_cast %get3A : i32 to index
    %get3A_23 = arith.constant 0 : index
    %get3A_24 = tpu.vector_load %arg6[%get3A_22, %get3A_23] {strides = array<i32>} : memref<2x512xf32, #tpu.memory_space<vmem>>, vector<1x16xf32>,
    %get3A_25 = vector.shape_cast %get3A_24 : vector<1x16xf32> to vector<16xf32>
    %get3A_26 = arith.constant 1 : i32
    %get3A_27 = arith.index_cast %get3A_26 : i32 to index
    %get3A_28 = arith.constant 0 : index
    %get3A_29 = tpu.vector_load %arg6[%get3A_27, %get3A_28] {strides = array<i32>} : memref<2x512xf32, #tpu.memory_space<vmem>>, vector<1x16xf32>,
    %get3A_30 = vector.shape_cast %get3A_29 : vector<1x16xf32> to vector<16xf32>
    %mul3A_31 = arith.mulf %get3A_25, %get3A_30 : vector<16xf32>
    %swap3A = arith.constant 0 : index
    %swap3A_32 = tpu.vector_load %arg8[%swap3A] {strides = array<i32>} : memref<512xf32, #tpu.memory_space<vmem>>, vector<16xf32>,
    %swap3A_33 = vector.shape_cast %swap3A_32 : vector<16xf32> to vector<16xf32>
    %swap3A_34 = vector.shape_cast %mul3A_31 : vector<16xf32> to vector<16xf32>
    tpu.vector_store %arg8[%swap3A], %swap3A_34 {strides = array<i32>} : memref<512xf32, #tpu.memory_space<vmem>>, vector<16xf32>,
    %get3A_35 = arith.constant 0 : i32
    %get3A_36 = arith.index_cast %get3A_35 : i32 to index
    %get3A_37 = arith.constant 16 : index
    %get3A_38 = tpu.vector_load %arg6[%get3A_36, %get3A_37] {strides = array<i32>} : memref<2x512xf32, #tpu.memory_space<vmem>>, vector<1x16xf32>,
    %get3A_39 = vector.shape_cast %get3A_38 : vector<1x16xf32> to vector<16xf32>
    %get3A_40 = arith.constant 1 : i32
    %get3A_41 = arith.index_cast %get3A_40 : i32 to index
    %get3A_42 = arith.constant 16 : index
    %get3A_43 = tpu.vector_load %arg6[%get3A_41, %get3A_42] {strides = array<i32>} : memref<2x512xf32, #tpu.memory_space<vmem>>, vector<1x16xf32>,
    %get3A_44 = vector.shape_cast %get3A_43 : vector<1x16xf32> to vector<16xf32>
    %mul3A_45 = arith.mulf %get3A_39, %get3A_44 : vector<16xf32>
    %swap3A_46 = arith.constant 16 : index
    %swap3A_47 = tpu.vector_load %arg8[%swap3A_46] {strides = array<i32>} : memref<512xf32, #tpu.memory_space<vmem>>, vector<16xf32>,
    %swap3A_48 = vector.shape_cast %swap3A_47 : vector<16xf32> to vector<16xf32>
    %swap3A_49 = vector.shape_cast %mul3A_45 : vector<16xf32> to vector<16xf32>
    tpu.vector_store %arg8[%swap3A_46], %swap3A_49 {strides = array<i32>} : memref<512xf32, #tpu.memory_space<vmem>>, vector<16xf32>,
    %get3A_50 = arith.constant 0 : i32
    %get3A_51 = arith.index_cast %get3A_50 : i32 to index
    %get3A_52 = arith.constant 32 : index
    %get3A_53 = tpu.vector_load %arg6[%get3A_51, %get3A_52] {strides = array<i32>} : memref<2x512xf32, #tpu.memory_space<vmem>>, vector<1x16xf32>,
    %get3A_54 = vector.shape_cast %get3A_53 : vector<1x16xf32> to vector<16xf32>
    %get3A_55 = arith.constant 1 : i32
    %get3A_56 = arith.index_cast %get3A_55 : i32 to index
    %get3A_57 = arith.constant 32 : index
    %get3A_58 = tpu.vector_load %arg6[%get3A_56, %get3A_57] {strides = array<i32>} : memref<2x512xf32, #tpu.memory_space<vmem>>, vector<1x16xf32>,
    %get3A_59 = vector.shape_cast %get3A_58 : vector<1x16xf32> to vector<16xf32>
    %mul3A_60 = arith.mulf %get3A_54, %get3A_59 : vector<16xf32>
    %swap3A_61 = arith.constant 32 : index
    %swap3A_62 = tpu.vector_load %arg8[%swap3A_61] {strides = array<i32>} : memref<512xf32, #tpu.memory_space<vmem>>, vector<16xf32>,
    %swap3A_63 = vector.shape_cast %swap3A_62 : vector<16xf32> to vector<16xf32>
    %swap3A_64 = vector.shape_cast %mul3A_60 : vector<16xf32> to vector<16xf32>
    tpu.vector_store %arg8[%swap3A_61], %swap3A_64 {strides = array<i32>} : memref<512xf32, #tpu.memory_space<vmem>>, vector<16xf32>,
    %get3A_65 = arith.constant 0 : i32
    %get3A_66 = arith.index_cast %get3A_65 : i32 to index
    %get3A_67 = arith.constant 48 : index
    %get3A_68 = tpu.vector_load %arg6[%get3A_66, %get3A_67] {strides = array<i32>} : memref<2x512xf32, #tpu.memory_space<vmem>>, vector<1x16xf32>,
    %get3A_69 = vector.shape_cast %get3A_68 : vector<1x16xf32> to vector<16xf32>
    %get3A_70 = arith.constant 1 : i32
    %get3A_71 = arith.index_cast %get3A_70 : i32 to index
    %get3A_72 = arith.constant 48 : index
    %get3A_73 = tpu.vector_load %arg6[%get3A_71, %get3A_72] {strides = array<i32>} : memref<2x512xf32, #tpu.memory_space<vmem>>, vector<1x16xf32>,
    %get3A_74 = vector.shape_cast %get3A_73 : vector<1x16xf32> to vector<16xf32>
    %mul3A_75 = arith.mulf %get3A_69, %get3A_74 : vector<16xf32>
    %swap3A_76 = arith.constant 48 : index
    %swap3A_77 = tpu.vector_load %arg8[%swap3A_76] {strides = array<i32>} : memref<512xf32, #tpu.memory_space<vmem>>, vector<16xf32>,
    %swap3A_78 = vector.shape_cast %swap3A_77 : vector<16xf32> to vector<16xf32>
    %swap3A_79 = vector.shape_cast %mul3A_75 : vector<16xf32> to vector<16xf32>
    tpu.vector_store %arg8[%swap3A_76], %swap3A_79 {strides = array<i32>} : memref<512xf32, #tpu.memory_space<vmem>>, vector<16xf32>,
    %get3A_80 = arith.constant 0 : i32
    %get3A_81 = arith.index_cast %get3A_80 : i32 to index
    %get3A_82 = arith.constant 64 : index
    %get3A_83 = tpu.vector_load %arg6[%get3A_81, %get3A_82] {strides = array<i32>} : memref<2x512xf32, #tpu.memory_space<vmem>>, vector<1x16xf32>,
    %get3A_84 = vector.shape_cast %get3A_83 : vector<1x16xf32> to vector<16xf32>
    %get3A_85 = arith.constant 1 : i32
    %get3A_86 = arith.index_cast %get3A_85 : i32 to index
    %get3A_87 = arith.constant 64 : index
    %get3A_88 = tpu.vector_load %arg6[%get3A_86, %get3A_87] {strides = array<i32>} : memref<2x512xf32, #tpu.memory_space<vmem>>, vector<1x16xf32>,
    %get3A_89 = vector.shape_cast %get3A_88 : vector<1x16xf32> to vector<16xf32>
    %mul3A_90 = arith.mulf %get3A_84, %get3A_89 : vector<16xf32>
    %swap3A_91 = arith.constant 64 : index
    %swap3A_92 = tpu.vector_load %arg8[%swap3A_91] {strides = array<i32>} : memref<512xf32, #tpu.memory_space<vmem>>, vector<16xf32>,
    %swap3A_93 = vector.shape_cast %swap3A_92 : vector<16xf32> to vector<16xf32>
    %swap3A_94 = vector.shape_cast %mul3A_90 : vector<16xf32> to vector<16xf32>
    tpu.vector_store %arg8[%swap3A_91], %swap3A_94 {strides = array<i32>} : memref<512xf32, #tpu.memory_space<vmem>>, vector<16xf32>,
    %get3A_95 = arith.constant 0 : i32
    %get3A_96 = arith.index_cast %get3A_95 : i32 to index
    %get3A_97 = arith.constant 80 : index
    %get3A_98 = tpu.vector_load %arg6[%get3A_96, %get3A_97] {strides = array<i32>} : memref<2x512xf32, #tpu.memory_space<vmem>>, vector<1x16xf32>,
    %get3A_99 = vector.shape_cast %get3A_98 : vector<1x16xf32> to vector<16xf32>
    %get3A_100 = arith.constant 1 : i32
    %get3A_101 = arith.index_cast %get3A_100 : i32 to index
    %get3A_102 = arith.constant 80 : index
    %get3A_103 = tpu.vector_load %arg6[%get3A_101, %get3A_102] {strides = array<i32>} : memref<2x512xf32, #tpu.memory_space<vmem>>, vector<1x16xf32>,
    %get3A_104 = vector.shape_cast %get3A_103 : vector<1x16xf32> to vector<16xf32>
    %mul3A_105 = arith.mulf %get3A_99, %get3A_104 : vector<16xf32>
    %swap3A_106 = arith.constant 80 : index
    %swap3A_107 = tpu.vector_load %arg8[%swap3A_106] {strides = array<i32>} : memref<512xf32, #tpu.memory_space<vmem>>, vector<16xf32>,
    %swap3A_108 = vector.shape_cast %swap3A_107 : vector<16xf32> to vector<16xf32>
    %swap3A_109 = vector.shape_cast %mul3A_105 : vector<16xf32> to vector<16xf32>
    tpu.vector_store %arg8[%swap3A_106], %swap3A_109 {strides = array<i32>} : memref<512xf32, #tpu.memory_space<vmem>>, vector<16xf32>,
    %get3A_110 = arith.constant 0 : i32
    %get3A_111 = arith.index_cast %get3A_110 : i32 to index
    %get3A_112 = arith.constant 96 : index
    %get3A_113 = tpu.vector_load %arg6[%get3A_111, %get3A_112] {strides = array<i32>} : memref<2x512xf32, #tpu.memory_space<vmem>>, vector<1x16xf32>,
    %get3A_114 = vector.shape_cast %get3A_113 : vector<1x16xf32> to vector<16xf32>
    %get3A_115 = arith.constant 1 : i32
    %get3A_116 = arith.index_cast %get3A_115 : i32 to index
    %get3A_117 = arith.constant 96 : index
    %get3A_118 = tpu.vector_load %arg6[%get3A_116, %get3A_117] {strides = array<i32>} : memref<2x512xf32, #tpu.memory_space<vmem>>, vector<1x16xf32>,
    %get3A_119 = vector.shape_cast %get3A_118 : vector<1x16xf32> to vector<16xf32>
    %mul3A_120 = arith.mulf %get3A_114, %get3A_119 : vector<16xf32>
    %swap3A_121 = arith.constant 96 : index
    %swap3A_122 = tpu.vector_load %arg8[%swap3A_121] {strides = array<i32>} : memref<512xf32, #tpu.memory_space<vmem>>, vector<16xf32>,
    %swap3A_123 = vector.shape_cast %swap3A_122 : vector<16xf32> to vector<16xf32>
    %swap3A_124 = vector.shape_cast %mul3A_120 : vector<16xf32> to vector<16xf32>
    tpu.vector_store %arg8[%swap3A_121], %swap3A_124 {strides = array<i32>} : memref<512xf32, #tpu.memory_space<vmem>>, vector<16xf32>,
    %get3A_125 = arith.constant 0 : i32
    %get3A_126 = arith.index_cast %get3A_125 : i32 to index
    %get3A_127 = arith.constant 112 : index
    %get3A_128 = tpu.vector_load %arg6[%get3A_126, %get3A_127] {strides = array<i32>} : memref<2x512xf32, #tpu.memory_space<vmem>>, vector<1x16xf32>,
    %get3A_129 = vector.shape_cast %get3A_128 : vector<1x16xf32> to vector<16xf32>
    %get3A_130 = arith.constant 1 : i32
    %get3A_131 = arith.index_cast %get3A_130 : i32 to index
    %get3A_132 = arith.constant 112 : index
    %get3A_133 = tpu.vector_load %arg6[%get3A_131, %get3A_132] {strides = array<i32>} : memref<2x512xf32, #tpu.memory_space<vmem>>, vector<1x16xf32>,
    %get3A_134 = vector.shape_cast %get3A_133 : vector<1x16xf32> to vector<16xf32>
    %mul3A_135 = arith.mulf %get3A_129, %get3A_134 : vector<16xf32>
    %swap3A_136 = arith.constant 112 : index
    %swap3A_137 = tpu.vector_load %arg8[%swap3A_136] {strides = array<i32>} : memref<512xf32, #tpu.memory_space<vmem>>, vector<16xf32>,
    %swap3A_138 = vector.shape_cast %swap3A_137 : vector<16xf32> to vector<16xf32>
    %swap3A_139 = vector.shape_cast %mul3A_135 : vector<16xf32> to vector<16xf32>
    tpu.vector_store %arg8[%swap3A_136], %swap3A_139 {strides = array<i32>} : memref<512xf32, #tpu.memory_space<vmem>>, vector<16xf32>,
    %get3A_140 = arith.constant 0 : i32
    %get3A_141 = arith.index_cast %get3A_140 : i32 to index
    %get3A_142 = arith.constant 128 : index
    %get3A_143 = tpu.vector_load %arg6[%get3A_141, %get3A_142] {strides = array<i32>} : memref<2x512xf32, #tpu.memory_space<vmem>>, vector<1x16xf32>,
    %get3A_144 = vector.shape_cast %get3A_143 : vector<1x16xf32> to vector<16xf32>
    %get3A_145 = arith.constant 1 : i32
    %get3A_146 = arith.index_cast %get3A_145 : i32 to index
    %get3A_147 = arith.constant 128 : index
    %get3A_148 = tpu.vector_load %arg6[%get3A_146, %get3A_147] {strides = array<i32>} : memref<2x512xf32, #tpu.memory_space<vmem>>, vector<1x16xf32>,
    %get3A_149 = vector.shape_cast %get3A_148 : vector<1x16xf32> to vector<16xf32>
    %mul3A_150 = arith.mulf %get3A_144, %get3A_149 : vector<16xf32>
    %swap3A_151 = arith.constant 128 : index
    %swap3A_152 = tpu.vector_load %arg8[%swap3A_151] {strides = array<i32>} : memref<512xf32, #tpu.memory_space<vmem>>, vector<16xf32>,
    %swap3A_153 = vector.shape_cast %swap3A_152 : vector<16xf32> to vector<16xf32>
    %swap3A_154 = vector.shape_cast %mul3A_150 : vector<16xf32> to vector<16xf32>
    tpu.vector_store %arg8[%swap3A_151], %swap3A_154 {strides = array<i32>} : memref<512xf32, #tpu.memory_space<vmem>>, vector<16xf32>,
    %get3A_155 = arith.constant 0 : i32
    %get3A_156 = arith.index_cast %get3A_155 : i32 to index
    %get3A_157 = arith.constant 144 : index
    %get3A_158 = tpu.vector_load %arg6[%get3A_156, %get3A_157] {strides = array<i32>} : memref<2x512xf32, #tpu.memory_space<vmem>>, vector<1x16xf32>,
    %get3A_159 = vector.shape_cast %get3A_158 : vector<1x16xf32> to vector<16xf32>
    %get3A_160 = arith.constant 1 : i32
    %get3A_161 = arith.index_cast %get3A_160 : i32 to index
    %get3A_162 = arith.constant 144 : index
    %get3A_163 = tpu.vector_load %arg6[%get3A_161, %get3A_162] {strides = array<i32>} : memref<2x512xf32, #tpu.memory_space<vmem>>, vector<1x16xf32>,
    %get3A_164 = vector.shape_cast %get3A_163 : vector<1x16xf32> to vector<16xf32>
    %mul3A_165 = arith.mulf %get3A_159, %get3A_164 : vector<16xf32>
    %swap3A_166 = arith.constant 144 : index
    %swap3A_167 = tpu.vector_load %arg8[%swap3A_166] {strides = array<i32>} : memref<512xf32, #tpu.memory_space<vmem>>, vector<16xf32>,
    %swap3A_168 = vector.shape_cast %swap3A_167 : vector<16xf32> to vector<16xf32>
    %swap3A_169 = vector.shape_cast %mul3A_165 : vector<16xf32> to vector<16xf32>
    tpu.vector_store %arg8[%swap3A_166], %swap3A_169 {strides = array<i32>} : memref<512xf32, #tpu.memory_space<vmem>>, vector<16xf32>,
    %get3A_170 = arith.constant 0 : i32
    %get3A_171 = arith.index_cast %get3A_170 : i32 to index
    %get3A_172 = arith.constant 160 : index
    %get3A_173 = tpu.vector_load %arg6[%get3A_171, %get3A_172] {strides = array<i32>} : memref<2x512xf32, #tpu.memory_space<vmem>>, vector<1x16xf32>,
    %get3A_174 = vector.shape_cast %get3A_173 : vector<1x16xf32> to vector<16xf32>
    %get3A_175 = arith.constant 1 : i32
    %get3A_176 = arith.index_cast %get3A_175 : i32 to index
    %get3A_177 = arith.constant 160 : index
    %get3A_178 = tpu.vector_load %arg6[%get3A_176, %get3A_177] {strides = array<i32>} : memref<2x512xf32, #tpu.memory_space<vmem>>, vector<1x16xf32>,
    %get3A_179 = vector.shape_cast %get3A_178 : vector<1x16xf32> to vector<16xf32>
    %mul3A_180 = arith.mulf %get3A_174, %get3A_179 : vector<16xf32>
    %swap3A_181 = arith.constant 160 : index
    %swap3A_182 = tpu.vector_load %arg8[%swap3A_181] {strides = array<i32>} : memref<512xf32, #tpu.memory_space<vmem>>, vector<16xf32>,
    %swap3A_183 = vector.shape_cast %swap3A_182 : vector<16xf32> to vector<16xf32>
    %swap3A_184 = vector.shape_cast %mul3A_180 : vector<16xf32> to vector<16xf32>
    tpu.vector_store %arg8[%swap3A_181], %swap3A_184 {strides = array<i32>} : memref<512xf32, #tpu.memory_space<vmem>>, vector<16xf32>,
    %get3A_185 = arith.constant 0 : i32
    %get3A_186 = arith.index_cast %get3A_185 : i32 to index
    %get3A_187 = arith.constant 176 : index
    %get3A_188 = tpu.vector_load %arg6[%get3A_186, %get3A_187] {strides = array<i32>} : memref<2x512xf32, #tpu.memory_space<vmem>>, vector<1x16xf32>,
    %get3A_189 = vector.shape_cast %get3A_188 : vector<1x16xf32> to vector<16xf32>
    %get3A_190 = arith.constant 1 : i32
    %get3A_191 = arith.index_cast %get3A_190 : i32 to index
    %get3A_192 = arith.constant 176 : index
    %get3A_193 = tpu.vector_load %arg6[%get3A_191, %get3A_192] {strides = array<i32>} : memref<2x512xf32, #tpu.memory_space<vmem>>, vector<1x16xf32>,
    %get3A_194 = vector.shape_cast %get3A_193 : vector<1x16xf32> to vector<16xf32>
    %mul3A_195 = arith.mulf %get3A_189, %get3A_194 : vector<16xf32>
    %swap3A_196 = arith.constant 176 : index
    %swap3A_197 = tpu.vector_load %arg8[%swap3A_196] {strides = array<i32>} : memref<512xf32, #tpu.memory_space<vmem>>, vector<16xf32>,
    %swap3A_198 = vector.shape_cast %swap3A_197 : vector<16xf32> to vector<16xf32>
    %swap3A_199 = vector.shape_cast %mul3A_195 : vector<16xf32> to vector<16xf32>
    tpu.vector_store %arg8[%swap3A_196], %swap3A_199 {strides = array<i32>} : memref<512xf32, #tpu.memory_space<vmem>>, vector<16xf32>,
    %get3A_200 = arith.constant 0 : i32
    %get3A_201 = arith.index_cast %get3A_200 : i32 to index
    %get3A_202 = arith.constant 192 : index
    %get3A_203 = tpu.vector_load %arg6[%get3A_201, %get3A_202] {strides = array<i32>} : memref<2x512xf32, #tpu.memory_space<vmem>>, vector<1x16xf32>,
    %get3A_204 = vector.shape_cast %get3A_203 : vector<1x16xf32> to vector<16xf32>
    %get3A_205 = arith.constant 1 : i32
    %get3A_206 = arith.index_cast %get3A_205 : i32 to index
    %get3A_207 = arith.constant 192 : index
    %get3A_208 = tpu.vector_load %arg6[%get3A_206, %get3A_207] {strides = array<i32>} : memref<2x512xf32, #tpu.memory_space<vmem>>, vector<1x16xf32>,
    %get3A_209 = vector.shape_cast %get3A_208 : vector<1x16xf32> to vector<16xf32>
    %mul3A_210 = arith.mulf %get3A_204, %get3A_209 : vector<16xf32>
    %swap3A_211 = arith.constant 192 : index
    %swap3A_212 = tpu.vector_load %arg8[%swap3A_211] {strides = array<i32>} : memref<512xf32, #tpu.memory_space<vmem>>, vector<16xf32>,
    %swap3A_213 = vector.shape_cast %swap3A_212 : vector<16xf32> to vector<16xf32>
    %swap3A_214 = vector.shape_cast %mul3A_210 : vector<16xf32> to vector<16xf32>
    tpu.vector_store %arg8[%swap3A_211], %swap3A_214 {strides = array<i32>} : memref<512xf32, #tpu.memory_space<vmem>>, vector<16xf32>,
    %get3A_215 = arith.constant 0 : i32
    %get3A_216 = arith.index_cast %get3A_215 : i32 to index
    %get3A_217 = arith.constant 208 : index
    %get3A_218 = tpu.vector_load %arg6[%get3A_216, %get3A_217] {strides = array<i32>} : memref<2x512xf32, #tpu.memory_space<vmem>>, vector<1x16xf32>,
    %get3A_219 = vector.shape_cast %get3A_218 : vector<1x16xf32> to vector<16xf32>
    %get3A_220 = arith.constant 1 : i32
    %get3A_221 = arith.index_cast %get3A_220 : i32 to index
    %get3A_222 = arith.constant 208 : index
    %get3A_223 = tpu.vector_load %arg6[%get3A_221, %get3A_222] {strides = array<i32>} : memref<2x512xf32, #tpu.memory_space<vmem>>, vector<1x16xf32>,
    %get3A_224 = vector.shape_cast %get3A_223 : vector<1x16xf32> to vector<16xf32>
    %mul3A_225 = arith.mulf %get3A_219, %get3A_224 : vector<16xf32>
    %swap3A_226 = arith.constant 208 : index
    %swap3A_227 = tpu.vector_load %arg8[%swap3A_226] {strides = array<i32>} : memref<512xf32, #tpu.memory_space<vmem>>, vector<16xf32>,
    %swap3A_228 = vector.shape_cast %swap3A_227 : vector<16xf32> to vector<16xf32>
    %swap3A_229 = vector.shape_cast %mul3A_225 : vector<16xf32> to vector<16xf32>
    tpu.vector_store %arg8[%swap3A_226], %swap3A_229 {strides = array<i32>} : memref<512xf32, #tpu.memory_space<vmem>>, vector<16xf32>,
    %get3A_230 = arith.constant 0 : i32
    %get3A_231 = arith.index_cast %get3A_230 : i32 to index
    %get3A_232 = arith.constant 224 : index
    %get3A_233 = tpu.vector_load %arg6[%get3A_231, %get3A_232] {strides = array<i32>} : memref<2x512xf32, #tpu.memory_space<vmem>>, vector<1x16xf32>,
    %get3A_234 = vector.shape_cast %get3A_233 : vector<1x16xf32> to vector<16xf32>
    %get3A_235 = arith.constant 1 : i32
    %get3A_236 = arith.index_cast %get3A_235 : i32 to index
    %get3A_237 = arith.constant 224 : index
    %get3A_238 = tpu.vector_load %arg6[%get3A_236, %get3A_237] {strides = array<i32>} : memref<2x512xf32, #tpu.memory_space<vmem>>, vector<1x16xf32>,
    %get3A_239 = vector.shape_cast %get3A_238 : vector<1x16xf32> to vector<16xf32>
    %mul3A_240 = arith.mulf %get3A_234, %get3A_239 : vector<16xf32>
    %swap3A_241 = arith.constant 224 : index
    %swap3A_242 = tpu.vector_load %arg8[%swap3A_241] {strides = array<i32>} : memref<512xf32, #tpu.memory_space<vmem>>, vector<16xf32>,
    %swap3A_243 = vector.shape_cast %swap3A_242 : vector<16xf32> to vector<16xf32>
    %swap3A_244 = vector.shape_cast %mul3A_240 : vector<16xf32> to vector<16xf32>
    tpu.vector_store %arg8[%swap3A_241], %swap3A_244 {strides = array<i32>} : memref<512xf32, #tpu.memory_space<vmem>>, vector<16xf32>,
    %get3A_245 = arith.constant 0 : i32
    %get3A_246 = arith.index_cast %get3A_245 : i32 to index
    %get3A_247 = arith.constant 240 : index
    %get3A_248 = tpu.vector_load %arg6[%get3A_246, %get3A_247] {strides = array<i32>} : memref<2x512xf32, #tpu.memory_space<vmem>>, vector<1x16xf32>,
    %get3A_249 = vector.shape_cast %get3A_248 : vector<1x16xf32> to vector<16xf32>
    %get3A_250 = arith.constant 1 : i32
    %get3A_251 = arith.index_cast %get3A_250 : i32 to index
    %get3A_252 = arith.constant 240 : index
    %get3A_253 = tpu.vector_load %arg6[%get3A_251, %get3A_252] {strides = array<i32>} : memref<2x512xf32, #tpu.memory_space<vmem>>, vector<1x16xf32>,
    %get3A_254 = vector.shape_cast %get3A_253 : vector<1x16xf32> to vector<16xf32>
    %mul3A_255 = arith.mulf %get3A_249, %get3A_254 : vector<16xf32>
    %swap3A_256 = arith.constant 240 : index
    %swap3A_257 = tpu.vector_load %arg8[%swap3A_256] {strides = array<i32>} : memref<512xf32, #tpu.memory_space<vmem>>, vector<16xf32>,
    %swap3A_258 = vector.shape_cast %swap3A_257 : vector<16xf32> to vector<16xf32>
    %swap3A_259 = vector.shape_cast %mul3A_255 : vector<16xf32> to vector<16xf32>
    tpu.vector_store %arg8[%swap3A_256], %swap3A_259 {strides = array<i32>} : memref<512xf32, #tpu.memory_space<vmem>>, vector<16xf32>,
    %get3A_260 = arith.constant 0 : i32
    %get3A_261 = arith.index_cast %get3A_260 : i32 to index
    %get3A_262 = arith.constant 256 : index
    %get3A_263 = tpu.vector_load %arg6[%get3A_261, %get3A_262] {strides = array<i32>} : memref<2x512xf32, #tpu.memory_space<vmem>>, vector<1x16xf32>,
    %get3A_264 = vector.shape_cast %get3A_263 : vector<1x16xf32> to vector<16xf32>
    %get3A_265 = arith.constant 1 : i32
    %get3A_266 = arith.index_cast %get3A_265 : i32 to index
    %get3A_267 = arith.constant 256 : index
    %get3A_268 = tpu.vector_load %arg6[%get3A_266, %get3A_267] {strides = array<i32>} : memref<2x512xf32, #tpu.memory_space<vmem>>, vector<1x16xf32>,
    %get3A_269 = vector.shape_cast %get3A_268 : vector<1x16xf32> to vector<16xf32>
    %mul3A_270 = arith.mulf %get3A_264, %get3A_269 : vector<16xf32>
    %swap3A_271 = arith.constant 256 : index
    %swap3A_272 = tpu.vector_load %arg8[%swap3A_271] {strides = array<i32>} : memref<512xf32, #tpu.memory_space<vmem>>, vector<16xf32>,
    %swap3A_273 = vector.shape_cast %swap3A_272 : vector<16xf32> to vector<16xf32>
    %swap3A_274 = vector.shape_cast %mul3A_270 : vector<16xf32> to vector<16xf32>
    tpu.vector_store %arg8[%swap3A_271], %swap3A_274 {strides = array<i32>} : memref<512xf32, #tpu.memory_space<vmem>>, vector<16xf32>,
    %get3A_275 = arith.constant 0 : i32
    %get3A_276 = arith.index_cast %get3A_275 : i32 to index
    %get3A_277 = arith.constant 272 : index
    %get3A_278 = tpu.vector_load %arg6[%get3A_276, %get3A_277] {strides = array<i32>} : memref<2x512xf32, #tpu.memory_space<vmem>>, vector<1x16xf32>,
    %get3A_279 = vector.shape_cast %get3A_278 : vector<1x16xf32> to vector<16xf32>
    %get3A_280 = arith.constant 1 : i32
    %get3A_281 = arith.index_cast %get3A_280 : i32 to index
    %get3A_282 = arith.constant 272 : index
    %get3A_283 = tpu.vector_load %arg6[%get3A_281, %get3A_282] {strides = array<i32>} : memref<2x512xf32, #tpu.memory_space<vmem>>, vector<1x16xf32>,
    %get3A_284 = vector.shape_cast %get3A_283 : vector<1x16xf32> to vector<16xf32>
    %mul3A_285 = arith.mulf %get3A_279, %get3A_284 : vector<16xf32>
    %swap3A_286 = arith.constant 272 : index
    %swap3A_287 = tpu.vector_load %arg8[%swap3A_286] {strides = array<i32>} : memref<512xf32, #tpu.memory_space<vmem>>, vector<16xf32>,
    %swap3A_288 = vector.shape_cast %swap3A_287 : vector<16xf32> to vector<16xf32>
    %swap3A_289 = vector.shape_cast %mul3A_285 : vector<16xf32> to vector<16xf32>
    tpu.vector_store %arg8[%swap3A_286], %swap3A_289 {strides = array<i32>} : memref<512xf32, #tpu.memory_space<vmem>>, vector<16xf32>,
    %get3A_290 = arith.constant 0 : i32
    %get3A_291 = arith.index_cast %get3A_290 : i32 to index
    %get3A_292 = arith.constant 288 : index
    %get3A_293 = tpu.vector_load %arg6[%get3A_291, %get3A_292] {strides = array<i32>} : memref<2x512xf32, #tpu.memory_space<vmem>>, vector<1x16xf32>,
    %get3A_294 = vector.shape_cast %get3A_293 : vector<1x16xf32> to vector<16xf32>
    %get3A_295 = arith.constant 1 : i32
    %get3A_296 = arith.index_cast %get3A_295 : i32 to index
    %get3A_297 = arith.constant 288 : index
    %get3A_298 = tpu.vector_load %arg6[%get3A_296, %get3A_297] {strides = array<i32>} : memref<2x512xf32, #tpu.memory_space<vmem>>, vector<1x16xf32>,
    %get3A_299 = vector.shape_cast %get3A_298 : vector<1x16xf32> to vector<16xf32>
    %mul3A_300 = arith.mulf %get3A_294, %get3A_299 : vector<16xf32>
    %swap3A_301 = arith.constant 288 : index
    %swap3A_302 = tpu.vector_load %arg8[%swap3A_301] {strides = array<i32>} : memref<512xf32, #tpu.memory_space<vmem>>, vector<16xf32>,
    %swap3A_303 = vector.shape_cast %swap3A_302 : vector<16xf32> to vector<16xf32>
    %swap3A_304 = vector.shape_cast %mul3A_300 : vector<16xf32> to vector<16xf32>
    tpu.vector_store %arg8[%swap3A_301], %swap3A_304 {strides = array<i32>} : memref<512xf32, #tpu.memory_space<vmem>>, vector<16xf32>,
    %get3A_305 = arith.constant 0 : i32
    %get3A_306 = arith.index_cast %get3A_305 : i32 to index
    %get3A_307 = arith.constant 304 : index
    %get3A_308 = tpu.vector_load %arg6[%get3A_306, %get3A_307] {strides = array<i32>} : memref<2x512xf32, #tpu.memory_space<vmem>>, vector<1x16xf32>,
    %get3A_309 = vector.shape_cast %get3A_308 : vector<1x16xf32> to vector<16xf32>
    %get3A_310 = arith.constant 1 : i32
    %get3A_311 = arith.index_cast %get3A_310 : i32 to index
    %get3A_312 = arith.constant 304 : index
    %get3A_313 = tpu.vector_load %arg6[%get3A_311, %get3A_312] {strides = array<i32>} : memref<2x512xf32, #tpu.memory_space<vmem>>, vector<1x16xf32>,
    %get3A_314 = vector.shape_cast %get3A_313 : vector<1x16xf32> to vector<16xf32>
    %mul3A_315 = arith.mulf %get3A_309, %get3A_314 : vector<16xf32>
    %swap3A_316 = arith.constant 304 : index
    %swap3A_317 = tpu.vector_load %arg8[%swap3A_316] {strides = array<i32>} : memref<512xf32, #tpu.memory_space<vmem>>, vector<16xf32>,
    %swap3A_318 = vector.shape_cast %swap3A_317 : vector<16xf32> to vector<16xf32>
    %swap3A_319 = vector.shape_cast %mul3A_315 : vector<16xf32> to vector<16xf32>
    tpu.vector_store %arg8[%swap3A_316], %swap3A_319 {strides = array<i32>} : memref<512xf32, #tpu.memory_space<vmem>>, vector<16xf32>,
    %get3A_320 = arith.constant 0 : i32
    %get3A_321 = arith.index_cast %get3A_320 : i32 to index
    %get3A_322 = arith.constant 320 : index
    %get3A_323 = tpu.vector_load %arg6[%get3A_321, %get3A_322] {strides = array<i32>} : memref<2x512xf32, #tpu.memory_space<vmem>>, vector<1x16xf32>,
    %get3A_324 = vector.shape_cast %get3A_323 : vector<1x16xf32> to vector<16xf32>
    %get3A_325 = arith.constant 1 : i32
    %get3A_326 = arith.index_cast %get3A_325 : i32 to index
    %get3A_327 = arith.constant 320 : index
    %get3A_328 = tpu.vector_load %arg6[%get3A_326, %get3A_327] {strides = array<i32>} : memref<2x512xf32, #tpu.memory_space<vmem>>, vector<1x16xf32>,
    %get3A_329 = vector.shape_cast %get3A_328 : vector<1x16xf32> to vector<16xf32>
    %mul3A_330 = arith.mulf %get3A_324, %get3A_329 : vector<16xf32>
    %swap3A_331 = arith.constant 320 : index
    %swap3A_332 = tpu.vector_load %arg8[%swap3A_331] {strides = array<i32>} : memref<512xf32, #tpu.memory_space<vmem>>, vector<16xf32>,
    %swap3A_333 = vector.shape_cast %swap3A_332 : vector<16xf32> to vector<16xf32>
    %swap3A_334 = vector.shape_cast %mul3A_330 : vector<16xf32> to vector<16xf32>
    tpu.vector_store %arg8[%swap3A_331], %swap3A_334 {strides = array<i32>} : memref<512xf32, #tpu.memory_space<vmem>>, vector<16xf32>,
    %get3A_335 = arith.constant 0 : i32
    %get3A_336 = arith.index_cast %get3A_335 : i32 to index
    %get3A_337 = arith.constant 336 : index
    %get3A_338 = tpu.vector_load %arg6[%get3A_336, %get3A_337] {strides = array<i32>} : memref<2x512xf32, #tpu.memory_space<vmem>>, vector<1x16xf32>,
    %get3A_339 = vector.shape_cast %get3A_338 : vector<1x16xf32> to vector<16xf32>
    %get3A_340 = arith.constant 1 : i32
    %get3A_341 = arith.index_cast %get3A_340 : i32 to index
    %get3A_342 = arith.constant 336 : index
    %get3A_343 = tpu.vector_load %arg6[%get3A_341, %get3A_342] {strides = array<i32>} : memref<2x512xf32, #tpu.memory_space<vmem>>, vector<1x16xf32>,
    %get3A_344 = vector.shape_cast %get3A_343 : vector<1x16xf32> to vector<16xf32>
    %mul3A_345 = arith.mulf %get3A_339, %get3A_344 : vector<16xf32>
    %swap3A_346 = arith.constant 336 : index
    %swap3A_347 = tpu.vector_load %arg8[%swap3A_346] {strides = array<i32>} : memref<512xf32, #tpu.memory_space<vmem>>, vector<16xf32>,
    %swap3A_348 = vector.shape_cast %swap3A_347 : vector<16xf32> to vector<16xf32>
    %swap3A_349 = vector.shape_cast %mul3A_345 : vector<16xf32> to vector<16xf32>
    tpu.vector_store %arg8[%swap3A_346], %swap3A_349 {strides = array<i32>} : memref<512xf32, #tpu.memory_space<vmem>>, vector<16xf32>,
    %get3A_350 = arith.constant 0 : i32
    %get3A_351 = arith.index_cast %get3A_350 : i32 to index
    %get3A_352 = arith.constant 352 : index
    %get3A_353 = tpu.vector_load %arg6[%get3A_351, %get3A_352] {strides = array<i32>} : memref<2x512xf32, #tpu.memory_space<vmem>>, vector<1x16xf32>,
    %get3A_354 = vector.shape_cast %get3A_353 : vector<1x16xf32> to vector<16xf32>
    %get3A_355 = arith.constant 1 : i32
    %get3A_356 = arith.index_cast %get3A_355 : i32 to index
    %get3A_357 = arith.constant 352 : index
    %get3A_358 = tpu.vector_load %arg6[%get3A_356, %get3A_357] {strides = array<i32>} : memref<2x512xf32, #tpu.memory_space<vmem>>, vector<1x16xf32>,
    %get3A_359 = vector.shape_cast %get3A_358 : vector<1x16xf32> to vector<16xf32>
    %mul3A_360 = arith.mulf %get3A_354, %get3A_359 : vector<16xf32>
    %swap3A_361 = arith.constant 352 : index
    %swap3A_362 = tpu.vector_load %arg8[%swap3A_361] {strides = array<i32>} : memref<512xf32, #tpu.memory_space<vmem>>, vector<16xf32>,
    %swap3A_363 = vector.shape_cast %swap3A_362 : vector<16xf32> to vector<16xf32>
    %swap3A_364 = vector.shape_cast %mul3A_360 : vector<16xf32> to vector<16xf32>
    tpu.vector_store %arg8[%swap3A_361], %swap3A_364 {strides = array<i32>} : memref<512xf32, #tpu.memory_space<vmem>>, vector<16xf32>,
    %get3A_365 = arith.constant 0 : i32
    %get3A_366 = arith.index_cast %get3A_365 : i32 to index
    %get3A_367 = arith.constant 368 : index
    %get3A_368 = tpu.vector_load %arg6[%get3A_366, %get3A_367] {strides = array<i32>} : memref<2x512xf32, #tpu.memory_space<vmem>>, vector<1x16xf32>,
    %get3A_369 = vector.shape_cast %get3A_368 : vector<1x16xf32> to vector<16xf32>
    %get3A_370 = arith.constant 1 : i32
    %get3A_371 = arith.index_cast %get3A_370 : i32 to index
    %get3A_372 = arith.constant 368 : index
    %get3A_373 = tpu.vector_load %arg6[%get3A_371, %get3A_372] {strides = array<i32>} : memref<2x512xf32, #tpu.memory_space<vmem>>, vector<1x16xf32>,
    %get3A_374 = vector.shape_cast %get3A_373 : vector<1x16xf32> to vector<16xf32>
    %mul3A_375 = arith.mulf %get3A_369, %get3A_374 : vector<16xf32>
    %swap3A_376 = arith.constant 368 : index
    %swap3A_377 = tpu.vector_load %arg8[%swap3A_376] {strides = array<i32>} : memref<512xf32, #tpu.memory_space<vmem>>, vector<16xf32>,
    %swap3A_378 = vector.shape_cast %swap3A_377 : vector<16xf32> to vector<16xf32>
    %swap3A_379 = vector.shape_cast %mul3A_375 : vector<16xf32> to vector<16xf32>
    tpu.vector_store %arg8[%swap3A_376], %swap3A_379 {strides = array<i32>} : memref<512xf32, #tpu.memory_space<vmem>>, vector<16xf32>,
    %get3A_380 = arith.constant 0 : i32
    %get3A_381 = arith.index_cast %get3A_380 : i32 to index
    %get3A_382 = arith.constant 384 : index
    %get3A_383 = tpu.vector_load %arg6[%get3A_381, %get3A_382] {strides = array<i32>} : memref<2x512xf32, #tpu.memory_space<vmem>>, vector<1x16xf32>,
    %get3A_384 = vector.shape_cast %get3A_383 : vector<1x16xf32> to vector<16xf32>
    %get3A_385 = arith.constant 1 : i32
    %get3A_386 = arith.index_cast %get3A_385 : i32 to index
    %get3A_387 = arith.constant 384 : index
    %get3A_388 = tpu.vector_load %arg6[%get3A_386, %get3A_387] {strides = array<i32>} : memref<2x512xf32, #tpu.memory_space<vmem>>, vector<1x16xf32>,
    %get3A_389 = vector.shape_cast %get3A_388 : vector<1x16xf32> to vector<16xf32>
    %mul3A_390 = arith.mulf %get3A_384, %get3A_389 : vector<16xf32>
    %swap3A_391 = arith.constant 384 : index
    %swap3A_392 = tpu.vector_load %arg8[%swap3A_391] {strides = array<i32>} : memref<512xf32, #tpu.memory_space<vmem>>, vector<16xf32>,
    %swap3A_393 = vector.shape_cast %swap3A_392 : vector<16xf32> to vector<16xf32>
    %swap3A_394 = vector.shape_cast %mul3A_390 : vector<16xf32> to vector<16xf32>
    tpu.vector_store %arg8[%swap3A_391], %swap3A_394 {strides = array<i32>} : memref<512xf32, #tpu.memory_space<vmem>>, vector<16xf32>,
    %get3A_395 = arith.constant 0 : i32
    %get3A_396 = arith.index_cast %get3A_395 : i32 to index
    %get3A_397 = arith.constant 400 : index
    %get3A_398 = tpu.vector_load %arg6[%get3A_396, %get3A_397] {strides = array<i32>} : memref<2x512xf32, #tpu.memory_space<vmem>>, vector<1x16xf32>,
    %get3A_399 = vector.shape_cast %get3A_398 : vector<1x16xf32> to vector<16xf32>
    %get3A_400 = arith.constant 1 : i32
    %get3A_401 = arith.index_cast %get3A_400 : i32 to index
    %get3A_402 = arith.constant 400 : index
    %get3A_403 = tpu.vector_load %arg6[%get3A_401, %get3A_402] {strides = array<i32>} : memref<2x512xf32, #tpu.memory_space<vmem>>, vector<1x16xf32>,
    %get3A_404 = vector.shape_cast %get3A_403 : vector<1x16xf32> to vector<16xf32>
    %mul3A_405 = arith.mulf %get3A_399, %get3A_404 : vector<16xf32>
    %swap3A_406 = arith.constant 400 : index
    %swap3A_407 = tpu.vector_load %arg8[%swap3A_406] {strides = array<i32>} : memref<512xf32, #tpu.memory_space<vmem>>, vector<16xf32>,
    %swap3A_408 = vector.shape_cast %swap3A_407 : vector<16xf32> to vector<16xf32>
    %swap3A_409 = vector.shape_cast %mul3A_405 : vector<16xf32> to vector<16xf32>
    tpu.vector_store %arg8[%swap3A_406], %swap3A_409 {strides = array<i32>} : memref<512xf32, #tpu.memory_space<vmem>>, vector<16xf32>,
    %get3A_410 = arith.constant 0 : i32
    %get3A_411 = arith.index_cast %get3A_410 : i32 to index
    %get3A_412 = arith.constant 416 : index
    %get3A_413 = tpu.vector_load %arg6[%get3A_411, %get3A_412] {strides = array<i32>} : memref<2x512xf32, #tpu.memory_space<vmem>>, vector<1x16xf32>,
    %get3A_414 = vector.shape_cast %get3A_413 : vector<1x16xf32> to vector<16xf32>
    %get3A_415 = arith.constant 1 : i32
    %get3A_416 = arith.index_cast %get3A_415 : i32 to index
    %get3A_417 = arith.constant 416 : index
    %get3A_418 = tpu.vector_load %arg6[%get3A_416, %get3A_417] {strides = array<i32>} : memref<2x512xf32, #tpu.memory_space<vmem>>, vector<1x16xf32>,
    %get3A_419 = vector.shape_cast %get3A_418 : vector<1x16xf32> to vector<16xf32>
    %mul3A_420 = arith.mulf %get3A_414, %get3A_419 : vector<16xf32>
    %swap3A_421 = arith.constant 416 : index
    %swap3A_422 = tpu.vector_load %arg8[%swap3A_421] {strides = array<i32>} : memref<512xf32, #tpu.memory_space<vmem>>, vector<16xf32>,
    %swap3A_423 = vector.shape_cast %swap3A_422 : vector<16xf32> to vector<16xf32>
    %swap3A_424 = vector.shape_cast %mul3A_420 : vector<16xf32> to vector<16xf32>
    tpu.vector_store %arg8[%swap3A_421], %swap3A_424 {strides = array<i32>} : memref<512xf32, #tpu.memory_space<vmem>>, vector<16xf32>,
    %get3A_425 = arith.constant 0 : i32
    %get3A_426 = arith.index_cast %get3A_425 : i32 to index
    %get3A_427 = arith.constant 432 : index
    %get3A_428 = tpu.vector_load %arg6[%get3A_426, %get3A_427] {strides = array<i32>} : memref<2x512xf32, #tpu.memory_space<vmem>>, vector<1x16xf32>,
    %get3A_429 = vector.shape_cast %get3A_428 : vector<1x16xf32> to vector<16xf32>
    %get3A_430 = arith.constant 1 : i32
    %get3A_431 = arith.index_cast %get3A_430 : i32 to index
    %get3A_432 = arith.constant 432 : index
    %get3A_433 = tpu.vector_load %arg6[%get3A_431, %get3A_432] {strides = array<i32>} : memref<2x512xf32, #tpu.memory_space<vmem>>, vector<1x16xf32>,
    %get3A_434 = vector.shape_cast %get3A_433 : vector<1x16xf32> to vector<16xf32>
    %mul3A_435 = arith.mulf %get3A_429, %get3A_434 : vector<16xf32>
    %swap3A_436 = arith.constant 432 : index
    %swap3A_437 = tpu.vector_load %arg8[%swap3A_436] {strides = array<i32>} : memref<512xf32, #tpu.memory_space<vmem>>, vector<16xf32>,
    %swap3A_438 = vector.shape_cast %swap3A_437 : vector<16xf32> to vector<16xf32>
    %swap3A_439 = vector.shape_cast %mul3A_435 : vector<16xf32> to vector<16xf32>
    tpu.vector_store %arg8[%swap3A_436], %swap3A_439 {strides = array<i32>} : memref<512xf32, #tpu.memory_space<vmem>>, vector<16xf32>,
    %get3A_440 = arith.constant 0 : i32
    %get3A_441 = arith.index_cast %get3A_440 : i32 to index
    %get3A_442 = arith.constant 448 : index
    %get3A_443 = tpu.vector_load %arg6[%get3A_441, %get3A_442] {strides = array<i32>} : memref<2x512xf32, #tpu.memory_space<vmem>>, vector<1x16xf32>,
    %get3A_444 = vector.shape_cast %get3A_443 : vector<1x16xf32> to vector<16xf32>
    %get3A_445 = arith.constant 1 : i32
    %get3A_446 = arith.index_cast %get3A_445 : i32 to index
    %get3A_447 = arith.constant 448 : index
    %get3A_448 = tpu.vector_load %arg6[%get3A_446, %get3A_447] {strides = array<i32>} : memref<2x512xf32, #tpu.memory_space<vmem>>, vector<1x16xf32>,
    %get3A_449 = vector.shape_cast %get3A_448 : vector<1x16xf32> to vector<16xf32>
    %mul3A_450 = arith.mulf %get3A_444, %get3A_449 : vector<16xf32>
    %swap3A_451 = arith.constant 448 : index
    %swap3A_452 = tpu.vector_load %arg8[%swap3A_451] {strides = array<i32>} : memref<512xf32, #tpu.memory_space<vmem>>, vector<16xf32>,
    %swap3A_453 = vector.shape_cast %swap3A_452 : vector<16xf32> to vector<16xf32>
    %swap3A_454 = vector.shape_cast %mul3A_450 : vector<16xf32> to vector<16xf32>
    tpu.vector_store %arg8[%swap3A_451], %swap3A_454 {strides = array<i32>} : memref<512xf32, #tpu.memory_space<vmem>>, vector<16xf32>,
    %get3A_455 = arith.constant 0 : i32
    %get3A_456 = arith.index_cast %get3A_455 : i32 to index
    %get3A_457 = arith.constant 464 : index
    %get3A_458 = tpu.vector_load %arg6[%get3A_456, %get3A_457] {strides = array<i32>} : memref<2x512xf32, #tpu.memory_space<vmem>>, vector<1x16xf32>,
    %get3A_459 = vector.shape_cast %get3A_458 : vector<1x16xf32> to vector<16xf32>
    %get3A_460 = arith.constant 1 : i32
    %get3A_461 = arith.index_cast %get3A_460 : i32 to index
    %get3A_462 = arith.constant 464 : index
    %get3A_463 = tpu.vector_load %arg6[%get3A_461, %get3A_462] {strides = array<i32>} : memref<2x512xf32, #tpu.memory_space<vmem>>, vector<1x16xf32>,
    %get3A_464 = vector.shape_cast %get3A_463 : vector<1x16xf32> to vector<16xf32>
    %mul3A_465 = arith.mulf %get3A_459, %get3A_464 : vector<16xf32>
    %swap3A_466 = arith.constant 464 : index
    %swap3A_467 = tpu.vector_load %arg8[%swap3A_466] {strides = array<i32>} : memref<512xf32, #tpu.memory_space<vmem>>, vector<16xf32>,
    %swap3A_468 = vector.shape_cast %swap3A_467 : vector<16xf32> to vector<16xf32>
    %swap3A_469 = vector.shape_cast %mul3A_465 : vector<16xf32> to vector<16xf32>
    tpu.vector_store %arg8[%swap3A_466], %swap3A_469 {strides = array<i32>} : memref<512xf32, #tpu.memory_space<vmem>>, vector<16xf32>,
    %get3A_470 = arith.constant 0 : i32
    %get3A_471 = arith.index_cast %get3A_470 : i32 to index
    %get3A_472 = arith.constant 480 : index
    %get3A_473 = tpu.vector_load %arg6[%get3A_471, %get3A_472] {strides = array<i32>} : memref<2x512xf32, #tpu.memory_space<vmem>>, vector<1x16xf32>,
    %get3A_474 = vector.shape_cast %get3A_473 : vector<1x16xf32> to vector<16xf32>
    %get3A_475 = arith.constant 1 : i32
    %get3A_476 = arith.index_cast %get3A_475 : i32 to index
    %get3A_477 = arith.constant 480 : index
    %get3A_478 = tpu.vector_load %arg6[%get3A_476, %get3A_477] {strides = array<i32>} : memref<2x512xf32, #tpu.memory_space<vmem>>, vector<1x16xf32>,
    %get3A_479 = vector.shape_cast %get3A_478 : vector<1x16xf32> to vector<16xf32>
    %mul3A_480 = arith.mulf %get3A_474, %get3A_479 : vector<16xf32>
    %swap3A_481 = arith.constant 480 : index
    %swap3A_482 = tpu.vector_load %arg8[%swap3A_481] {strides = array<i32>} : memref<512xf32, #tpu.memory_space<vmem>>, vector<16xf32>,
    %swap3A_483 = vector.shape_cast %swap3A_482 : vector<16xf32> to vector<16xf32>
    %swap3A_484 = vector.shape_cast %mul3A_480 : vector<16xf32> to vector<16xf32>
    tpu.vector_store %arg8[%swap3A_481], %swap3A_484 {strides = array<i32>} : memref<512xf32, #tpu.memory_space<vmem>>, vector<16xf32>,
    %get3A_485 = arith.constant 0 : i32
    %get3A_486 = arith.index_cast %get3A_485 : i32 to index
    %get3A_487 = arith.constant 496 : index
    %get3A_488 = tpu.vector_load %arg6[%get3A_486, %get3A_487] {strides = array<i32>} : memref<2x512xf32, #tpu.memory_space<vmem>>, vector<1x16xf32>,
    %get3A_489 = vector.shape_cast %get3A_488 : vector<1x16xf32> to vector<16xf32>
    %get3A_490 = arith.constant 1 : i32
    %get3A_491 = arith.index_cast %get3A_490 : i32 to index
    %get3A_492 = arith.constant 496 : index
    %get3A_493 = tpu.vector_load %arg6[%get3A_491, %get3A_492] {strides = array<i32>} : memref<2x512xf32, #tpu.memory_space<vmem>>, vector<1x16xf32>,
    %get3A_494 = vector.shape_cast %get3A_493 : vector<1x16xf32> to vector<16xf32>
    %mul3A_495 = arith.mulf %get3A_489, %get3A_494 : vector<16xf32>
    %swap3A_496 = arith.constant 496 : index
    %swap3A_497 = tpu.vector_load %arg8[%swap3A_496] {strides = array<i32>} : memref<512xf32, #tpu.memory_space<vmem>>, vector<16xf32>,
    %swap3A_498 = vector.shape_cast %swap3A_497 : vector<16xf32> to vector<16xf32>
    %swap3A_499 = vector.shape_cast %mul3A_495 : vector<16xf32> to vector<16xf32>
    tpu.vector_store %arg8[%swap3A_496], %swap3A_499 {strides = array<i32>} : memref<512xf32, #tpu.memory_space<vmem>>, vector<16xf32>,
    %scan3A = arith.constant 0 : i32
    %scan3A_500 = arith.constant 0 : i32
    %scan3A_501 = arith.constant 64 : i32
    %scan3A_502 = arith.addi %scan3A_500, %scan3A_501 : i32
    %scan3A_503 = arith.constant 1 : i32
    %scan3A_504 = scf.for %scan3A_506 = %scan3A_500 to %scan3A_502 step %scan3A_503 iter_args(%scan3A_507 = %scan3A) -> (i32)  : i32 {
      %add3A_508 = arith.addi %sub3A_21, %scan3A_506 : i32
      %get3A_509 = arith.index_cast %scan3A_506 : i32 to index
      %get3A_510 = arith.constant 0 : index
      %get3A_511 = tpu.vector_load %arg7[%get3A_509, %get3A_510] {strides = array<i32>} : memref<64x16xf32, #tpu.memory_space<vmem>>, vector<1x16xf32>,
      %get3A_512 = vector.shape_cast %get3A_511 : vector<1x16xf32> to vector<16xf32>
      %slice3A = vector.extract_strided_slice %get3A_512 {offsets = [0], sizes = [1], strides = [1]} : vector<16xf32> to vector<1xf32>
      %squeeze3A = vector.extract %slice3A[0] : f32 from vector<1xf32>
      %slice3A_513 = vector.extract_strided_slice %get3A_512 {offsets = [2], sizes = [1], strides = [1]} : vector<16xf32> to vector<1xf32>
      %squeeze3A_514 = vector.extract %slice3A_513[0] : f32 from vector<1xf32>
      %slice3A_515 = vector.extract_strided_slice %get3A_512 {offsets = [1], sizes = [1], strides = [1]} : vector<16xf32> to vector<1xf32>
      %squeeze3A_516 = vector.extract %slice3A_515[0] : f32 from vector<1xf32>
      %mul3A_517 = arith.mulf %squeeze3A_514, %squeeze3A_516 : f32
      %get3A_518 = arith.constant 0 : index
      %get3A_519 = tpu.vector_load %arg8[%get3A_518] {strides = array<i32>} : memref<512xf32, #tpu.memory_space<vmem>>, vector<16xf32>,
      %get3A_520 = vector.shape_cast %get3A_519 : vector<16xf32> to vector<16xf32>
      %get3A_521 = arith.constant 1 : i32
      %get3A_522 = arith.index_cast %get3A_521 : i32 to index
      %get3A_523 = arith.constant 0 : index
      %get3A_524 = tpu.vector_load %arg6[%get3A_522, %get3A_523] {strides = array<i32>} : memref<2x512xf32, #tpu.memory_space<vmem>>, vector<1x16xf32>,
      %get3A_525 = vector.shape_cast %get3A_524 : vector<1x16xf32> to vector<16xf32>
      %add3A_526 = arith.constant 0 : i32
      %add3A_527 = vector.broadcast %add3A_526 : i32 to vector<16xi32>
      %add3A_528 = arith.addi %iota3A, %add3A_527 : vector<16xi32>
      %mul3A_529 = vector.broadcast %mul3A_517 : f32 to vector<16xf32>
      %mul3A_530 = arith.mulf %mul3A_529, %get3A_525 : vector<16xf32>
      %mul3A_531 = vector.broadcast %squeeze3A_514 : f32 to vector<16xf32>
      %mul3A_532 = arith.mulf %mul3A_531, %get3A_520 : vector<16xf32>
      %add3A_533 = arith.addf %mul3A_530, %mul3A_532 : vector<16xf32>
      %ge3A = vector.broadcast %add3A_508 : i32 to vector<16xi32>
      %ge3A_534 = arith.cmpi sge, %add3A_528, %ge3A : vector<16xi32>
      %jit3A_535 = arith.constant 0.000000e+00 : f32
      %broadcast_in_dim3A = vector.broadcast %jit3A_535 : f32 to vector<16xf32>
      %select_n3A_536 = arith.select %ge3A_534, %add3A_533, %broadcast_in_dim3A : vector<16xi1>, vector<16xf32>
      %sub3A_537 = vector.broadcast %squeeze3A : f32 to vector<16xf32>
      %sub3A_538 = arith.subf %sub3A_537, %select_n3A_536 : vector<16xf32>
      %swap3A_539 = arith.index_cast %scan3A_506 : i32 to index
      %swap3A_540 = arith.constant 0 : index
      %swap3A_541 = tpu.vector_load %arg5[%swap3A_539, %swap3A_540] {strides = array<i32>} : memref<64x512xf32, #tpu.memory_space<vmem>>, vector<1x16xf32>,
      %swap3A_542 = vector.shape_cast %swap3A_541 : vector<1x16xf32> to vector<16xf32>
      %swap3A_543 = vector.shape_cast %sub3A_538 : vector<16xf32> to vector<1x16xf32>
      tpu.vector_store %arg5[%swap3A_539, %swap3A_540], %swap3A_543 {strides = array<i32>} : memref<64x512xf32, #tpu.memory_space<vmem>>, vector<1x16xf32>,
      %get3A_544 = arith.constant 16 : index
      %get3A_545 = tpu.vector_load %arg8[%get3A_544] {strides = array<i32>} : memref<512xf32, #tpu.memory_space<vmem>>, vector<16xf32>,
      %get3A_546 = vector.shape_cast %get3A_545 : vector<16xf32> to vector<16xf32>
      %get3A_547 = arith.constant 1 : i32
      %get3A_548 = arith.index_cast %get3A_547 : i32 to index
      %get3A_549 = arith.constant 16 : index
      %get3A_550 = tpu.vector_load %arg6[%get3A_548, %get3A_549] {strides = array<i32>} : memref<2x512xf32, #tpu.memory_space<vmem>>, vector<1x16xf32>,
      %get3A_551 = vector.shape_cast %get3A_550 : vector<1x16xf32> to vector<16xf32>
      %add3A_552 = arith.constant 16 : i32
      %add3A_553 = vector.broadcast %add3A_552 : i32 to vector<16xi32>
      %add3A_554 = arith.addi %iota3A, %add3A_553 : vector<16xi32>
      %mul3A_555 = vector.broadcast %mul3A_517 : f32 to vector<16xf32>
      %mul3A_556 = arith.mulf %mul3A_555, %get3A_551 : vector<16xf32>
      %mul3A_557 = vector.broadcast %squeeze3A_514 : f32 to vector<16xf32>
      %mul3A_558 = arith.mulf %mul3A_557, %get3A_546 : vector<16xf32>
      %add3A_559 = arith.addf %mul3A_556, %mul3A_558 : vector<16xf32>
      %ge3A_560 = vector.broadcast %add3A_508 : i32 to vector<16xi32>
      %ge3A_561 = arith.cmpi sge, %add3A_554, %ge3A_560 : vector<16xi32>
      %jit3A_562 = arith.constant 0.000000e+00 : f32
      %broadcast_in_dim3A_563 = vector.broadcast %jit3A_562 : f32 to vector<16xf32>
      %select_n3A_564 = arith.select %ge3A_561, %add3A_559, %broadcast_in_dim3A_563 : vector<16xi1>, vector<16xf32>
      %sub3A_565 = vector.broadcast %squeeze3A : f32 to vector<16xf32>
      %sub3A_566 = arith.subf %sub3A_565, %select_n3A_564 : vector<16xf32>
      %swap3A_567 = arith.index_cast %scan3A_506 : i32 to index
      %swap3A_568 = arith.constant 16 : index
      %swap3A_569 = tpu.vector_load %arg5[%swap3A_567, %swap3A_568] {strides = array<i32>} : memref<64x512xf32, #tpu.memory_space<vmem>>, vector<1x16xf32>,
      %swap3A_570 = vector.shape_cast %swap3A_569 : vector<1x16xf32> to vector<16xf32>
      %swap3A_571 = vector.shape_cast %sub3A_566 : vector<16xf32> to vector<1x16xf32>
      tpu.vector_store %arg5[%swap3A_567, %swap3A_568], %swap3A_571 {strides = array<i32>} : memref<64x512xf32, #tpu.memory_space<vmem>>, vector<1x16xf32>,
      %get3A_572 = arith.constant 32 : index
      %get3A_573 = tpu.vector_load %arg8[%get3A_572] {strides = array<i32>} : memref<512xf32, #tpu.memory_space<vmem>>, vector<16xf32>,
      %get3A_574 = vector.shape_cast %get3A_573 : vector<16xf32> to vector<16xf32>
      %get3A_575 = arith.constant 1 : i32
      %get3A_576 = arith.index_cast %get3A_575 : i32 to index
      %get3A_577 = arith.constant 32 : index
      %get3A_578 = tpu.vector_load %arg6[%get3A_576, %get3A_577] {strides = array<i32>} : memref<2x512xf32, #tpu.memory_space<vmem>>, vector<1x16xf32>,
      %get3A_579 = vector.shape_cast %get3A_578 : vector<1x16xf32> to vector<16xf32>
      %add3A_580 = arith.constant 32 : i32
      %add3A_581 = vector.broadcast %add3A_580 : i32 to vector<16xi32>
      %add3A_582 = arith.addi %iota3A, %add3A_581 : vector<16xi32>
      %mul3A_583 = vector.broadcast %mul3A_517 : f32 to vector<16xf32>
      %mul3A_584 = arith.mulf %mul3A_583, %get3A_579 : vector<16xf32>
      %mul3A_585 = vector.broadcast %squeeze3A_514 : f32 to vector<16xf32>
      %mul3A_586 = arith.mulf %mul3A_585, %get3A_574 : vector<16xf32>
      %add3A_587 = arith.addf %mul3A_584, %mul3A_586 : vector<16xf32>
      %ge3A_588 = vector.broadcast %add3A_508 : i32 to vector<16xi32>
      %ge3A_589 = arith.cmpi sge, %add3A_582, %ge3A_588 : vector<16xi32>
      %jit3A_590 = arith.constant 0.000000e+00 : f32
      %broadcast_in_dim3A_591 = vector.broadcast %jit3A_590 : f32 to vector<16xf32>
      %select_n3A_592 = arith.select %ge3A_589, %add3A_587, %broadcast_in_dim3A_591 : vector<16xi1>, vector<16xf32>
      %sub3A_593 = vector.broadcast %squeeze3A : f32 to vector<16xf32>
      %sub3A_594 = arith.subf %sub3A_593, %select_n3A_592 : vector<16xf32>
      %swap3A_595 = arith.index_cast %scan3A_506 : i32 to index
      %swap3A_596 = arith.constant 32 : index
      %swap3A_597 = tpu.vector_load %arg5[%swap3A_595, %swap3A_596] {strides = array<i32>} : memref<64x512xf32, #tpu.memory_space<vmem>>, vector<1x16xf32>,
      %swap3A_598 = vector.shape_cast %swap3A_597 : vector<1x16xf32> to vector<16xf32>
      %swap3A_599 = vector.shape_cast %sub3A_594 : vector<16xf32> to vector<1x16xf32>
      tpu.vector_store %arg5[%swap3A_595, %swap3A_596], %swap3A_599 {strides = array<i32>} : memref<64x512xf32, #tpu.memory_space<vmem>>, vector<1x16xf32>,
      %get3A_600 = arith.constant 48 : index
      %get3A_601 = tpu.vector_load %arg8[%get3A_600] {strides = array<i32>} : memref<512xf32, #tpu.memory_space<vmem>>, vector<16xf32>,
      %get3A_602 = vector.shape_cast %get3A_601 : vector<16xf32> to vector<16xf32>
      %get3A_603 = arith.constant 1 : i32
      %get3A_604 = arith.index_cast %get3A_603 : i32 to index
      %get3A_605 = arith.constant 48 : index
      %get3A_606 = tpu.vector_load %arg6[%get3A_604, %get3A_605] {strides = array<i32>} : memref<2x512xf32, #tpu.memory_space<vmem>>, vector<1x16xf32>,
      %get3A_607 = vector.shape_cast %get3A_606 : vector<1x16xf32> to vector<16xf32>
      %add3A_608 = arith.constant 48 : i32
      %add3A_609 = vector.broadcast %add3A_608 : i32 to vector<16xi32>
      %add3A_610 = arith.addi %iota3A, %add3A_609 : vector<16xi32>
      %mul3A_611 = vector.broadcast %mul3A_517 : f32 to vector<16xf32>
      %mul3A_612 = arith.mulf %mul3A_611, %get3A_607 : vector<16xf32>
      %mul3A_613 = vector.broadcast %squeeze3A_514 : f32 to vector<16xf32>
      %mul3A_614 = arith.mulf %mul3A_613, %get3A_602 : vector<16xf32>
      %add3A_615 = arith.addf %mul3A_612, %mul3A_614 : vector<16xf32>
      %ge3A_616 = vector.broadcast %add3A_508 : i32 to vector<16xi32>
      %ge3A_617 = arith.cmpi sge, %add3A_610, %ge3A_616 : vector<16xi32>
      %jit3A_618 = arith.constant 0.000000e+00 : f32
      %broadcast_in_dim3A_619 = vector.broadcast %jit3A_618 : f32 to vector<16xf32>
      %select_n3A_620 = arith.select %ge3A_617, %add3A_615, %broadcast_in_dim3A_619 : vector<16xi1>, vector<16xf32>
      %sub3A_621 = vector.broadcast %squeeze3A : f32 to vector<16xf32>
      %sub3A_622 = arith.subf %sub3A_621, %select_n3A_620 : vector<16xf32>
      %swap3A_623 = arith.index_cast %scan3A_506 : i32 to index
      %swap3A_624 = arith.constant 48 : index
      %swap3A_625 = tpu.vector_load %arg5[%swap3A_623, %swap3A_624] {strides = array<i32>} : memref<64x512xf32, #tpu.memory_space<vmem>>, vector<1x16xf32>,
      %swap3A_626 = vector.shape_cast %swap3A_625 : vector<1x16xf32> to vector<16xf32>
      %swap3A_627 = vector.shape_cast %sub3A_622 : vector<16xf32> to vector<1x16xf32>
      tpu.vector_store %arg5[%swap3A_623, %swap3A_624], %swap3A_627 {strides = array<i32>} : memref<64x512xf32, #tpu.memory_space<vmem>>, vector<1x16xf32>,
      %get3A_628 = arith.constant 64 : index
      %get3A_629 = tpu.vector_load %arg8[%get3A_628] {strides = array<i32>} : memref<512xf32, #tpu.memory_space<vmem>>, vector<16xf32>,
      %get3A_630 = vector.shape_cast %get3A_629 : vector<16xf32> to vector<16xf32>
      %get3A_631 = arith.constant 1 : i32
      %get3A_632 = arith.index_cast %get3A_631 : i32 to index
      %get3A_633 = arith.constant 64 : index
      %get3A_634 = tpu.vector_load %arg6[%get3A_632, %get3A_633] {strides = array<i32>} : memref<2x512xf32, #tpu.memory_space<vmem>>, vector<1x16xf32>,
      %get3A_635 = vector.shape_cast %get3A_634 : vector<1x16xf32> to vector<16xf32>
      %add3A_636 = arith.constant 64 : i32
      %add3A_637 = vector.broadcast %add3A_636 : i32 to vector<16xi32>
      %add3A_638 = arith.addi %iota3A, %add3A_637 : vector<16xi32>
      %mul3A_639 = vector.broadcast %mul3A_517 : f32 to vector<16xf32>
      %mul3A_640 = arith.mulf %mul3A_639, %get3A_635 : vector<16xf32>
      %mul3A_641 = vector.broadcast %squeeze3A_514 : f32 to vector<16xf32>
      %mul3A_642 = arith.mulf %mul3A_641, %get3A_630 : vector<16xf32>
      %add3A_643 = arith.addf %mul3A_640, %mul3A_642 : vector<16xf32>
      %ge3A_644 = vector.broadcast %add3A_508 : i32 to vector<16xi32>
      %ge3A_645 = arith.cmpi sge, %add3A_638, %ge3A_644 : vector<16xi32>
      %jit3A_646 = arith.constant 0.000000e+00 : f32
      %broadcast_in_dim3A_647 = vector.broadcast %jit3A_646 : f32 to vector<16xf32>
      %select_n3A_648 = arith.select %ge3A_645, %add3A_643, %broadcast_in_dim3A_647 : vector<16xi1>, vector<16xf32>
      %sub3A_649 = vector.broadcast %squeeze3A : f32 to vector<16xf32>
      %sub3A_650 = arith.subf %sub3A_649, %select_n3A_648 : vector<16xf32>
      %swap3A_651 = arith.index_cast %scan3A_506 : i32 to index
      %swap3A_652 = arith.constant 64 : index
      %swap3A_653 = tpu.vector_load %arg5[%swap3A_651, %swap3A_652] {strides = array<i32>} : memref<64x512xf32, #tpu.memory_space<vmem>>, vector<1x16xf32>,
      %swap3A_654 = vector.shape_cast %swap3A_653 : vector<1x16xf32> to vector<16xf32>
      %swap3A_655 = vector.shape_cast %sub3A_650 : vector<16xf32> to vector<1x16xf32>
      tpu.vector_store %arg5[%swap3A_651, %swap3A_652], %swap3A_655 {strides = array<i32>} : memref<64x512xf32, #tpu.memory_space<vmem>>, vector<1x16xf32>,
      %get3A_656 = arith.constant 80 : index
      %get3A_657 = tpu.vector_load %arg8[%get3A_656] {strides = array<i32>} : memref<512xf32, #tpu.memory_space<vmem>>, vector<16xf32>,
      %get3A_658 = vector.shape_cast %get3A_657 : vector<16xf32> to vector<16xf32>
      %get3A_659 = arith.constant 1 : i32
      %get3A_660 = arith.index_cast %get3A_659 : i32 to index
      %get3A_661 = arith.constant 80 : index
      %get3A_662 = tpu.vector_load %arg6[%get3A_660, %get3A_661] {strides = array<i32>} : memref<2x512xf32, #tpu.memory_space<vmem>>, vector<1x16xf32>,
      %get3A_663 = vector.shape_cast %get3A_662 : vector<1x16xf32> to vector<16xf32>
      %add3A_664 = arith.constant 80 : i32
      %add3A_665 = vector.broadcast %add3A_664 : i32 to vector<16xi32>
      %add3A_666 = arith.addi %iota3A, %add3A_665 : vector<16xi32>
      %mul3A_667 = vector.broadcast %mul3A_517 : f32 to vector<16xf32>
      %mul3A_668 = arith.mulf %mul3A_667, %get3A_663 : vector<16xf32>
      %mul3A_669 = vector.broadcast %squeeze3A_514 : f32 to vector<16xf32>
      %mul3A_670 = arith.mulf %mul3A_669, %get3A_658 : vector<16xf32>
      %add3A_671 = arith.addf %mul3A_668, %mul3A_670 : vector<16xf32>
      %ge3A_672 = vector.broadcast %add3A_508 : i32 to vector<16xi32>
      %ge3A_673 = arith.cmpi sge, %add3A_666, %ge3A_672 : vector<16xi32>
      %jit3A_674 = arith.constant 0.000000e+00 : f32
      %broadcast_in_dim3A_675 = vector.broadcast %jit3A_674 : f32 to vector<16xf32>
      %select_n3A_676 = arith.select %ge3A_673, %add3A_671, %broadcast_in_dim3A_675 : vector<16xi1>, vector<16xf32>
      %sub3A_677 = vector.broadcast %squeeze3A : f32 to vector<16xf32>
      %sub3A_678 = arith.subf %sub3A_677, %select_n3A_676 : vector<16xf32>
      %swap3A_679 = arith.index_cast %scan3A_506 : i32 to index
      %swap3A_680 = arith.constant 80 : index
      %swap3A_681 = tpu.vector_load %arg5[%swap3A_679, %swap3A_680] {strides = array<i32>} : memref<64x512xf32, #tpu.memory_space<vmem>>, vector<1x16xf32>,
      %swap3A_682 = vector.shape_cast %swap3A_681 : vector<1x16xf32> to vector<16xf32>
      %swap3A_683 = vector.shape_cast %sub3A_678 : vector<16xf32> to vector<1x16xf32>
      tpu.vector_store %arg5[%swap3A_679, %swap3A_680], %swap3A_683 {strides = array<i32>} : memref<64x512xf32, #tpu.memory_space<vmem>>, vector<1x16xf32>,
      %get3A_684 = arith.constant 96 : index
      %get3A_685 = tpu.vector_load %arg8[%get3A_684] {strides = array<i32>} : memref<512xf32, #tpu.memory_space<vmem>>, vector<16xf32>,
      %get3A_686 = vector.shape_cast %get3A_685 : vector<16xf32> to vector<16xf32>
      %get3A_687 = arith.constant 1 : i32
      %get3A_688 = arith.index_cast %get3A_687 : i32 to index
      %get3A_689 = arith.constant 96 : index
      %get3A_690 = tpu.vector_load %arg6[%get3A_688, %get3A_689] {strides = array<i32>} : memref<2x512xf32, #tpu.memory_space<vmem>>, vector<1x16xf32>,
      %get3A_691 = vector.shape_cast %get3A_690 : vector<1x16xf32> to vector<16xf32>
      %add3A_692 = arith.constant 96 : i32
      %add3A_693 = vector.broadcast %add3A_692 : i32 to vector<16xi32>
      %add3A_694 = arith.addi %iota3A, %add3A_693 : vector<16xi32>
      %mul3A_695 = vector.broadcast %mul3A_517 : f32 to vector<16xf32>
      %mul3A_696 = arith.mulf %mul3A_695, %get3A_691 : vector<16xf32>
      %mul3A_697 = vector.broadcast %squeeze3A_514 : f32 to vector<16xf32>
      %mul3A_698 = arith.mulf %mul3A_697, %get3A_686 : vector<16xf32>
      %add3A_699 = arith.addf %mul3A_696, %mul3A_698 : vector<16xf32>
      %ge3A_700 = vector.broadcast %add3A_508 : i32 to vector<16xi32>
      %ge3A_701 = arith.cmpi sge, %add3A_694, %ge3A_700 : vector<16xi32>
      %jit3A_702 = arith.constant 0.000000e+00 : f32
      %broadcast_in_dim3A_703 = vector.broadcast %jit3A_702 : f32 to vector<16xf32>
      %select_n3A_704 = arith.select %ge3A_701, %add3A_699, %broadcast_in_dim3A_703 : vector<16xi1>, vector<16xf32>
      %sub3A_705 = vector.broadcast %squeeze3A : f32 to vector<16xf32>
      %sub3A_706 = arith.subf %sub3A_705, %select_n3A_704 : vector<16xf32>
      %swap3A_707 = arith.index_cast %scan3A_506 : i32 to index
      %swap3A_708 = arith.constant 96 : index
      %swap3A_709 = tpu.vector_load %arg5[%swap3A_707, %swap3A_708] {strides = array<i32>} : memref<64x512xf32, #tpu.memory_space<vmem>>, vector<1x16xf32>,
      %swap3A_710 = vector.shape_cast %swap3A_709 : vector<1x16xf32> to vector<16xf32>
      %swap3A_711 = vector.shape_cast %sub3A_706 : vector<16xf32> to vector<1x16xf32>
      tpu.vector_store %arg5[%swap3A_707, %swap3A_708], %swap3A_711 {strides = array<i32>} : memref<64x512xf32, #tpu.memory_space<vmem>>, vector<1x16xf32>,
      %get3A_712 = arith.constant 112 : index
      %get3A_713 = tpu.vector_load %arg8[%get3A_712] {strides = array<i32>} : memref<512xf32, #tpu.memory_space<vmem>>, vector<16xf32>,
      %get3A_714 = vector.shape_cast %get3A_713 : vector<16xf32> to vector<16xf32>
      %get3A_715 = arith.constant 1 : i32
      %get3A_716 = arith.index_cast %get3A_715 : i32 to index
      %get3A_717 = arith.constant 112 : index
      %get3A_718 = tpu.vector_load %arg6[%get3A_716, %get3A_717] {strides = array<i32>} : memref<2x512xf32, #tpu.memory_space<vmem>>, vector<1x16xf32>,
      %get3A_719 = vector.shape_cast %get3A_718 : vector<1x16xf32> to vector<16xf32>
      %add3A_720 = arith.constant 112 : i32
      %add3A_721 = vector.broadcast %add3A_720 : i32 to vector<16xi32>
      %add3A_722 = arith.addi %iota3A, %add3A_721 : vector<16xi32>
      %mul3A_723 = vector.broadcast %mul3A_517 : f32 to vector<16xf32>
      %mul3A_724 = arith.mulf %mul3A_723, %get3A_719 : vector<16xf32>
      %mul3A_725 = vector.broadcast %squeeze3A_514 : f32 to vector<16xf32>
      %mul3A_726 = arith.mulf %mul3A_725, %get3A_714 : vector<16xf32>
      %add3A_727 = arith.addf %mul3A_724, %mul3A_726 : vector<16xf32>
      %ge3A_728 = vector.broadcast %add3A_508 : i32 to vector<16xi32>
      %ge3A_729 = arith.cmpi sge, %add3A_722, %ge3A_728 : vector<16xi32>
      %jit3A_730 = arith.constant 0.000000e+00 : f32
      %broadcast_in_dim3A_731 = vector.broadcast %jit3A_730 : f32 to vector<16xf32>
      %select_n3A_732 = arith.select %ge3A_729, %add3A_727, %broadcast_in_dim3A_731 : vector<16xi1>, vector<16xf32>
      %sub3A_733 = vector.broadcast %squeeze3A : f32 to vector<16xf32>
      %sub3A_734 = arith.subf %sub3A_733, %select_n3A_732 : vector<16xf32>
      %swap3A_735 = arith.index_cast %scan3A_506 : i32 to index
      %swap3A_736 = arith.constant 112 : index
      %swap3A_737 = tpu.vector_load %arg5[%swap3A_735, %swap3A_736] {strides = array<i32>} : memref<64x512xf32, #tpu.memory_space<vmem>>, vector<1x16xf32>,
      %swap3A_738 = vector.shape_cast %swap3A_737 : vector<1x16xf32> to vector<16xf32>
      %swap3A_739 = vector.shape_cast %sub3A_734 : vector<16xf32> to vector<1x16xf32>
      tpu.vector_store %arg5[%swap3A_735, %swap3A_736], %swap3A_739 {strides = array<i32>} : memref<64x512xf32, #tpu.memory_space<vmem>>, vector<1x16xf32>,
      %get3A_740 = arith.constant 128 : index
      %get3A_741 = tpu.vector_load %arg8[%get3A_740] {strides = array<i32>} : memref<512xf32, #tpu.memory_space<vmem>>, vector<16xf32>,
      %get3A_742 = vector.shape_cast %get3A_741 : vector<16xf32> to vector<16xf32>
      %get3A_743 = arith.constant 1 : i32
      %get3A_744 = arith.index_cast %get3A_743 : i32 to index
      %get3A_745 = arith.constant 128 : index
      %get3A_746 = tpu.vector_load %arg6[%get3A_744, %get3A_745] {strides = array<i32>} : memref<2x512xf32, #tpu.memory_space<vmem>>, vector<1x16xf32>,
      %get3A_747 = vector.shape_cast %get3A_746 : vector<1x16xf32> to vector<16xf32>
      %add3A_748 = arith.constant 128 : i32
      %add3A_749 = vector.broadcast %add3A_748 : i32 to vector<16xi32>
      %add3A_750 = arith.addi %iota3A, %add3A_749 : vector<16xi32>
      %mul3A_751 = vector.broadcast %mul3A_517 : f32 to vector<16xf32>
      %mul3A_752 = arith.mulf %mul3A_751, %get3A_747 : vector<16xf32>
      %mul3A_753 = vector.broadcast %squeeze3A_514 : f32 to vector<16xf32>
      %mul3A_754 = arith.mulf %mul3A_753, %get3A_742 : vector<16xf32>
      %add3A_755 = arith.addf %mul3A_752, %mul3A_754 : vector<16xf32>
      %ge3A_756 = vector.broadcast %add3A_508 : i32 to vector<16xi32>
      %ge3A_757 = arith.cmpi sge, %add3A_750, %ge3A_756 : vector<16xi32>
      %jit3A_758 = arith.constant 0.000000e+00 : f32
      %broadcast_in_dim3A_759 = vector.broadcast %jit3A_758 : f32 to vector<16xf32>
      %select_n3A_760 = arith.select %ge3A_757, %add3A_755, %broadcast_in_dim3A_759 : vector<16xi1>, vector<16xf32>
      %sub3A_761 = vector.broadcast %squeeze3A : f32 to vector<16xf32>
      %sub3A_762 = arith.subf %sub3A_761, %select_n3A_760 : vector<16xf32>
      %swap3A_763 = arith.index_cast %scan3A_506 : i32 to index
      %swap3A_764 = arith.constant 128 : index
      %swap3A_765 = tpu.vector_load %arg5[%swap3A_763, %swap3A_764] {strides = array<i32>} : memref<64x512xf32, #tpu.memory_space<vmem>>, vector<1x16xf32>,
      %swap3A_766 = vector.shape_cast %swap3A_765 : vector<1x16xf32> to vector<16xf32>
      %swap3A_767 = vector.shape_cast %sub3A_762 : vector<16xf32> to vector<1x16xf32>
      tpu.vector_store %arg5[%swap3A_763, %swap3A_764], %swap3A_767 {strides = array<i32>} : memref<64x512xf32, #tpu.memory_space<vmem>>, vector<1x16xf32>,
      %get3A_768 = arith.constant 144 : index
      %get3A_769 = tpu.vector_load %arg8[%get3A_768] {strides = array<i32>} : memref<512xf32, #tpu.memory_space<vmem>>, vector<16xf32>,
      %get3A_770 = vector.shape_cast %get3A_769 : vector<16xf32> to vector<16xf32>
      %get3A_771 = arith.constant 1 : i32
      %get3A_772 = arith.index_cast %get3A_771 : i32 to index
      %get3A_773 = arith.constant 144 : index
      %get3A_774 = tpu.vector_load %arg6[%get3A_772, %get3A_773] {strides = array<i32>} : memref<2x512xf32, #tpu.memory_space<vmem>>, vector<1x16xf32>,
      %get3A_775 = vector.shape_cast %get3A_774 : vector<1x16xf32> to vector<16xf32>
      %add3A_776 = arith.constant 144 : i32
      %add3A_777 = vector.broadcast %add3A_776 : i32 to vector<16xi32>
      %add3A_778 = arith.addi %iota3A, %add3A_777 : vector<16xi32>
      %mul3A_779 = vector.broadcast %mul3A_517 : f32 to vector<16xf32>
      %mul3A_780 = arith.mulf %mul3A_779, %get3A_775 : vector<16xf32>
      %mul3A_781 = vector.broadcast %squeeze3A_514 : f32 to vector<16xf32>
      %mul3A_782 = arith.mulf %mul3A_781, %get3A_770 : vector<16xf32>
      %add3A_783 = arith.addf %mul3A_780, %mul3A_782 : vector<16xf32>
      %ge3A_784 = vector.broadcast %add3A_508 : i32 to vector<16xi32>
      %ge3A_785 = arith.cmpi sge, %add3A_778, %ge3A_784 : vector<16xi32>
      %jit3A_786 = arith.constant 0.000000e+00 : f32
      %broadcast_in_dim3A_787 = vector.broadcast %jit3A_786 : f32 to vector<16xf32>
      %select_n3A_788 = arith.select %ge3A_785, %add3A_783, %broadcast_in_dim3A_787 : vector<16xi1>, vector<16xf32>
      %sub3A_789 = vector.broadcast %squeeze3A : f32 to vector<16xf32>
      %sub3A_790 = arith.subf %sub3A_789, %select_n3A_788 : vector<16xf32>
      %swap3A_791 = arith.index_cast %scan3A_506 : i32 to index
      %swap3A_792 = arith.constant 144 : index
      %swap3A_793 = tpu.vector_load %arg5[%swap3A_791, %swap3A_792] {strides = array<i32>} : memref<64x512xf32, #tpu.memory_space<vmem>>, vector<1x16xf32>,
      %swap3A_794 = vector.shape_cast %swap3A_793 : vector<1x16xf32> to vector<16xf32>
      %swap3A_795 = vector.shape_cast %sub3A_790 : vector<16xf32> to vector<1x16xf32>
      tpu.vector_store %arg5[%swap3A_791, %swap3A_792], %swap3A_795 {strides = array<i32>} : memref<64x512xf32, #tpu.memory_space<vmem>>, vector<1x16xf32>,
      %get3A_796 = arith.constant 160 : index
      %get3A_797 = tpu.vector_load %arg8[%get3A_796] {strides = array<i32>} : memref<512xf32, #tpu.memory_space<vmem>>, vector<16xf32>,
      %get3A_798 = vector.shape_cast %get3A_797 : vector<16xf32> to vector<16xf32>
      %get3A_799 = arith.constant 1 : i32
      %get3A_800 = arith.index_cast %get3A_799 : i32 to index
      %get3A_801 = arith.constant 160 : index
      %get3A_802 = tpu.vector_load %arg6[%get3A_800, %get3A_801] {strides = array<i32>} : memref<2x512xf32, #tpu.memory_space<vmem>>, vector<1x16xf32>,
      %get3A_803 = vector.shape_cast %get3A_802 : vector<1x16xf32> to vector<16xf32>
      %add3A_804 = arith.constant 160 : i32
      %add3A_805 = vector.broadcast %add3A_804 : i32 to vector<16xi32>
      %add3A_806 = arith.addi %iota3A, %add3A_805 : vector<16xi32>
      %mul3A_807 = vector.broadcast %mul3A_517 : f32 to vector<16xf32>
      %mul3A_808 = arith.mulf %mul3A_807, %get3A_803 : vector<16xf32>
      %mul3A_809 = vector.broadcast %squeeze3A_514 : f32 to vector<16xf32>
      %mul3A_810 = arith.mulf %mul3A_809, %get3A_798 : vector<16xf32>
      %add3A_811 = arith.addf %mul3A_808, %mul3A_810 : vector<16xf32>
      %ge3A_812 = vector.broadcast %add3A_508 : i32 to vector<16xi32>
      %ge3A_813 = arith.cmpi sge, %add3A_806, %ge3A_812 : vector<16xi32>
      %jit3A_814 = arith.constant 0.000000e+00 : f32
      %broadcast_in_dim3A_815 = vector.broadcast %jit3A_814 : f32 to vector<16xf32>
      %select_n3A_816 = arith.select %ge3A_813, %add3A_811, %broadcast_in_dim3A_815 : vector<16xi1>, vector<16xf32>
      %sub3A_817 = vector.broadcast %squeeze3A : f32 to vector<16xf32>
      %sub3A_818 = arith.subf %sub3A_817, %select_n3A_816 : vector<16xf32>
      %swap3A_819 = arith.index_cast %scan3A_506 : i32 to index
      %swap3A_820 = arith.constant 160 : index
      %swap3A_821 = tpu.vector_load %arg5[%swap3A_819, %swap3A_820] {strides = array<i32>} : memref<64x512xf32, #tpu.memory_space<vmem>>, vector<1x16xf32>,
      %swap3A_822 = vector.shape_cast %swap3A_821 : vector<1x16xf32> to vector<16xf32>
      %swap3A_823 = vector.shape_cast %sub3A_818 : vector<16xf32> to vector<1x16xf32>
      tpu.vector_store %arg5[%swap3A_819, %swap3A_820], %swap3A_823 {strides = array<i32>} : memref<64x512xf32, #tpu.memory_space<vmem>>, vector<1x16xf32>,
      %get3A_824 = arith.constant 176 : index
      %get3A_825 = tpu.vector_load %arg8[%get3A_824] {strides = array<i32>} : memref<512xf32, #tpu.memory_space<vmem>>, vector<16xf32>,
      %get3A_826 = vector.shape_cast %get3A_825 : vector<16xf32> to vector<16xf32>
      %get3A_827 = arith.constant 1 : i32
      %get3A_828 = arith.index_cast %get3A_827 : i32 to index
      %get3A_829 = arith.constant 176 : index
      %get3A_830 = tpu.vector_load %arg6[%get3A_828, %get3A_829] {strides = array<i32>} : memref<2x512xf32, #tpu.memory_space<vmem>>, vector<1x16xf32>,
      %get3A_831 = vector.shape_cast %get3A_830 : vector<1x16xf32> to vector<16xf32>
      %add3A_832 = arith.constant 176 : i32
      %add3A_833 = vector.broadcast %add3A_832 : i32 to vector<16xi32>
      %add3A_834 = arith.addi %iota3A, %add3A_833 : vector<16xi32>
      %mul3A_835 = vector.broadcast %mul3A_517 : f32 to vector<16xf32>
      %mul3A_836 = arith.mulf %mul3A_835, %get3A_831 : vector<16xf32>
      %mul3A_837 = vector.broadcast %squeeze3A_514 : f32 to vector<16xf32>
      %mul3A_838 = arith.mulf %mul3A_837, %get3A_826 : vector<16xf32>
      %add3A_839 = arith.addf %mul3A_836, %mul3A_838 : vector<16xf32>
      %ge3A_840 = vector.broadcast %add3A_508 : i32 to vector<16xi32>
      %ge3A_841 = arith.cmpi sge, %add3A_834, %ge3A_840 : vector<16xi32>
      %jit3A_842 = arith.constant 0.000000e+00 : f32
      %broadcast_in_dim3A_843 = vector.broadcast %jit3A_842 : f32 to vector<16xf32>
      %select_n3A_844 = arith.select %ge3A_841, %add3A_839, %broadcast_in_dim3A_843 : vector<16xi1>, vector<16xf32>
      %sub3A_845 = vector.broadcast %squeeze3A : f32 to vector<16xf32>
      %sub3A_846 = arith.subf %sub3A_845, %select_n3A_844 : vector<16xf32>
      %swap3A_847 = arith.index_cast %scan3A_506 : i32 to index
      %swap3A_848 = arith.constant 176 : index
      %swap3A_849 = tpu.vector_load %arg5[%swap3A_847, %swap3A_848] {strides = array<i32>} : memref<64x512xf32, #tpu.memory_space<vmem>>, vector<1x16xf32>,
      %swap3A_850 = vector.shape_cast %swap3A_849 : vector<1x16xf32> to vector<16xf32>
      %swap3A_851 = vector.shape_cast %sub3A_846 : vector<16xf32> to vector<1x16xf32>
      tpu.vector_store %arg5[%swap3A_847, %swap3A_848], %swap3A_851 {strides = array<i32>} : memref<64x512xf32, #tpu.memory_space<vmem>>, vector<1x16xf32>,
      %get3A_852 = arith.constant 192 : index
      %get3A_853 = tpu.vector_load %arg8[%get3A_852] {strides = array<i32>} : memref<512xf32, #tpu.memory_space<vmem>>, vector<16xf32>,
      %get3A_854 = vector.shape_cast %get3A_853 : vector<16xf32> to vector<16xf32>
      %get3A_855 = arith.constant 1 : i32
      %get3A_856 = arith.index_cast %get3A_855 : i32 to index
      %get3A_857 = arith.constant 192 : index
      %get3A_858 = tpu.vector_load %arg6[%get3A_856, %get3A_857] {strides = array<i32>} : memref<2x512xf32, #tpu.memory_space<vmem>>, vector<1x16xf32>,
      %get3A_859 = vector.shape_cast %get3A_858 : vector<1x16xf32> to vector<16xf32>
      %add3A_860 = arith.constant 192 : i32
      %add3A_861 = vector.broadcast %add3A_860 : i32 to vector<16xi32>
      %add3A_862 = arith.addi %iota3A, %add3A_861 : vector<16xi32>
      %mul3A_863 = vector.broadcast %mul3A_517 : f32 to vector<16xf32>
      %mul3A_864 = arith.mulf %mul3A_863, %get3A_859 : vector<16xf32>
      %mul3A_865 = vector.broadcast %squeeze3A_514 : f32 to vector<16xf32>
      %mul3A_866 = arith.mulf %mul3A_865, %get3A_854 : vector<16xf32>
      %add3A_867 = arith.addf %mul3A_864, %mul3A_866 : vector<16xf32>
      %ge3A_868 = vector.broadcast %add3A_508 : i32 to vector<16xi32>
      %ge3A_869 = arith.cmpi sge, %add3A_862, %ge3A_868 : vector<16xi32>
      %jit3A_870 = arith.constant 0.000000e+00 : f32
      %broadcast_in_dim3A_871 = vector.broadcast %jit3A_870 : f32 to vector<16xf32>
      %select_n3A_872 = arith.select %ge3A_869, %add3A_867, %broadcast_in_dim3A_871 : vector<16xi1>, vector<16xf32>
      %sub3A_873 = vector.broadcast %squeeze3A : f32 to vector<16xf32>
      %sub3A_874 = arith.subf %sub3A_873, %select_n3A_872 : vector<16xf32>
      %swap3A_875 = arith.index_cast %scan3A_506 : i32 to index
      %swap3A_876 = arith.constant 192 : index
      %swap3A_877 = tpu.vector_load %arg5[%swap3A_875, %swap3A_876] {strides = array<i32>} : memref<64x512xf32, #tpu.memory_space<vmem>>, vector<1x16xf32>,
      %swap3A_878 = vector.shape_cast %swap3A_877 : vector<1x16xf32> to vector<16xf32>
      %swap3A_879 = vector.shape_cast %sub3A_874 : vector<16xf32> to vector<1x16xf32>
      tpu.vector_store %arg5[%swap3A_875, %swap3A_876], %swap3A_879 {strides = array<i32>} : memref<64x512xf32, #tpu.memory_space<vmem>>, vector<1x16xf32>,
      %get3A_880 = arith.constant 208 : index
      %get3A_881 = tpu.vector_load %arg8[%get3A_880] {strides = array<i32>} : memref<512xf32, #tpu.memory_space<vmem>>, vector<16xf32>,
      %get3A_882 = vector.shape_cast %get3A_881 : vector<16xf32> to vector<16xf32>
      %get3A_883 = arith.constant 1 : i32
      %get3A_884 = arith.index_cast %get3A_883 : i32 to index
      %get3A_885 = arith.constant 208 : index
      %get3A_886 = tpu.vector_load %arg6[%get3A_884, %get3A_885] {strides = array<i32>} : memref<2x512xf32, #tpu.memory_space<vmem>>, vector<1x16xf32>,
      %get3A_887 = vector.shape_cast %get3A_886 : vector<1x16xf32> to vector<16xf32>
      %add3A_888 = arith.constant 208 : i32
      %add3A_889 = vector.broadcast %add3A_888 : i32 to vector<16xi32>
      %add3A_890 = arith.addi %iota3A, %add3A_889 : vector<16xi32>
      %mul3A_891 = vector.broadcast %mul3A_517 : f32 to vector<16xf32>
      %mul3A_892 = arith.mulf %mul3A_891, %get3A_887 : vector<16xf32>
      %mul3A_893 = vector.broadcast %squeeze3A_514 : f32 to vector<16xf32>
      %mul3A_894 = arith.mulf %mul3A_893, %get3A_882 : vector<16xf32>
      %add3A_895 = arith.addf %mul3A_892, %mul3A_894 : vector<16xf32>
      %ge3A_896 = vector.broadcast %add3A_508 : i32 to vector<16xi32>
      %ge3A_897 = arith.cmpi sge, %add3A_890, %ge3A_896 : vector<16xi32>
      %jit3A_898 = arith.constant 0.000000e+00 : f32
      %broadcast_in_dim3A_899 = vector.broadcast %jit3A_898 : f32 to vector<16xf32>
      %select_n3A_900 = arith.select %ge3A_897, %add3A_895, %broadcast_in_dim3A_899 : vector<16xi1>, vector<16xf32>
      %sub3A_901 = vector.broadcast %squeeze3A : f32 to vector<16xf32>
      %sub3A_902 = arith.subf %sub3A_901, %select_n3A_900 : vector<16xf32>
      %swap3A_903 = arith.index_cast %scan3A_506 : i32 to index
      %swap3A_904 = arith.constant 208 : index
      %swap3A_905 = tpu.vector_load %arg5[%swap3A_903, %swap3A_904] {strides = array<i32>} : memref<64x512xf32, #tpu.memory_space<vmem>>, vector<1x16xf32>,
      %swap3A_906 = vector.shape_cast %swap3A_905 : vector<1x16xf32> to vector<16xf32>
      %swap3A_907 = vector.shape_cast %sub3A_902 : vector<16xf32> to vector<1x16xf32>
      tpu.vector_store %arg5[%swap3A_903, %swap3A_904], %swap3A_907 {strides = array<i32>} : memref<64x512xf32, #tpu.memory_space<vmem>>, vector<1x16xf32>,
      %get3A_908 = arith.constant 224 : index
      %get3A_909 = tpu.vector_load %arg8[%get3A_908] {strides = array<i32>} : memref<512xf32, #tpu.memory_space<vmem>>, vector<16xf32>,
      %get3A_910 = vector.shape_cast %get3A_909 : vector<16xf32> to vector<16xf32>
      %get3A_911 = arith.constant 1 : i32
      %get3A_912 = arith.index_cast %get3A_911 : i32 to index
      %get3A_913 = arith.constant 224 : index
      %get3A_914 = tpu.vector_load %arg6[%get3A_912, %get3A_913] {strides = array<i32>} : memref<2x512xf32, #tpu.memory_space<vmem>>, vector<1x16xf32>,
      %get3A_915 = vector.shape_cast %get3A_914 : vector<1x16xf32> to vector<16xf32>
      %add3A_916 = arith.constant 224 : i32
      %add3A_917 = vector.broadcast %add3A_916 : i32 to vector<16xi32>
      %add3A_918 = arith.addi %iota3A, %add3A_917 : vector<16xi32>
      %mul3A_919 = vector.broadcast %mul3A_517 : f32 to vector<16xf32>
      %mul3A_920 = arith.mulf %mul3A_919, %get3A_915 : vector<16xf32>
      %mul3A_921 = vector.broadcast %squeeze3A_514 : f32 to vector<16xf32>
      %mul3A_922 = arith.mulf %mul3A_921, %get3A_910 : vector<16xf32>
      %add3A_923 = arith.addf %mul3A_920, %mul3A_922 : vector<16xf32>
      %ge3A_924 = vector.broadcast %add3A_508 : i32 to vector<16xi32>
      %ge3A_925 = arith.cmpi sge, %add3A_918, %ge3A_924 : vector<16xi32>
      %jit3A_926 = arith.constant 0.000000e+00 : f32
      %broadcast_in_dim3A_927 = vector.broadcast %jit3A_926 : f32 to vector<16xf32>
      %select_n3A_928 = arith.select %ge3A_925, %add3A_923, %broadcast_in_dim3A_927 : vector<16xi1>, vector<16xf32>
      %sub3A_929 = vector.broadcast %squeeze3A : f32 to vector<16xf32>
      %sub3A_930 = arith.subf %sub3A_929, %select_n3A_928 : vector<16xf32>
      %swap3A_931 = arith.index_cast %scan3A_506 : i32 to index
      %swap3A_932 = arith.constant 224 : index
      %swap3A_933 = tpu.vector_load %arg5[%swap3A_931, %swap3A_932] {strides = array<i32>} : memref<64x512xf32, #tpu.memory_space<vmem>>, vector<1x16xf32>,
      %swap3A_934 = vector.shape_cast %swap3A_933 : vector<1x16xf32> to vector<16xf32>
      %swap3A_935 = vector.shape_cast %sub3A_930 : vector<16xf32> to vector<1x16xf32>
      tpu.vector_store %arg5[%swap3A_931, %swap3A_932], %swap3A_935 {strides = array<i32>} : memref<64x512xf32, #tpu.memory_space<vmem>>, vector<1x16xf32>,
      %get3A_936 = arith.constant 240 : index
      %get3A_937 = tpu.vector_load %arg8[%get3A_936] {strides = array<i32>} : memref<512xf32, #tpu.memory_space<vmem>>, vector<16xf32>,
      %get3A_938 = vector.shape_cast %get3A_937 : vector<16xf32> to vector<16xf32>
      %get3A_939 = arith.constant 1 : i32
      %get3A_940 = arith.index_cast %get3A_939 : i32 to index
      %get3A_941 = arith.constant 240 : index
      %get3A_942 = tpu.vector_load %arg6[%get3A_940, %get3A_941] {strides = array<i32>} : memref<2x512xf32, #tpu.memory_space<vmem>>, vector<1x16xf32>,
      %get3A_943 = vector.shape_cast %get3A_942 : vector<1x16xf32> to vector<16xf32>
      %add3A_944 = arith.constant 240 : i32
      %add3A_945 = vector.broadcast %add3A_944 : i32 to vector<16xi32>
      %add3A_946 = arith.addi %iota3A, %add3A_945 : vector<16xi32>
      %mul3A_947 = vector.broadcast %mul3A_517 : f32 to vector<16xf32>
      %mul3A_948 = arith.mulf %mul3A_947, %get3A_943 : vector<16xf32>
      %mul3A_949 = vector.broadcast %squeeze3A_514 : f32 to vector<16xf32>
      %mul3A_950 = arith.mulf %mul3A_949, %get3A_938 : vector<16xf32>
      %add3A_951 = arith.addf %mul3A_948, %mul3A_950 : vector<16xf32>
      %ge3A_952 = vector.broadcast %add3A_508 : i32 to vector<16xi32>
      %ge3A_953 = arith.cmpi sge, %add3A_946, %ge3A_952 : vector<16xi32>
      %jit3A_954 = arith.constant 0.000000e+00 : f32
      %broadcast_in_dim3A_955 = vector.broadcast %jit3A_954 : f32 to vector<16xf32>
      %select_n3A_956 = arith.select %ge3A_953, %add3A_951, %broadcast_in_dim3A_955 : vector<16xi1>, vector<16xf32>
      %sub3A_957 = vector.broadcast %squeeze3A : f32 to vector<16xf32>
      %sub3A_958 = arith.subf %sub3A_957, %select_n3A_956 : vector<16xf32>
      %swap3A_959 = arith.index_cast %scan3A_506 : i32 to index
      %swap3A_960 = arith.constant 240 : index
      %swap3A_961 = tpu.vector_load %arg5[%swap3A_959, %swap3A_960] {strides = array<i32>} : memref<64x512xf32, #tpu.memory_space<vmem>>, vector<1x16xf32>,
      %swap3A_962 = vector.shape_cast %swap3A_961 : vector<1x16xf32> to vector<16xf32>
      %swap3A_963 = vector.shape_cast %sub3A_958 : vector<16xf32> to vector<1x16xf32>
      tpu.vector_store %arg5[%swap3A_959, %swap3A_960], %swap3A_963 {strides = array<i32>} : memref<64x512xf32, #tpu.memory_space<vmem>>, vector<1x16xf32>,
      %get3A_964 = arith.constant 256 : index
      %get3A_965 = tpu.vector_load %arg8[%get3A_964] {strides = array<i32>} : memref<512xf32, #tpu.memory_space<vmem>>, vector<16xf32>,
      %get3A_966 = vector.shape_cast %get3A_965 : vector<16xf32> to vector<16xf32>
      %get3A_967 = arith.constant 1 : i32
      %get3A_968 = arith.index_cast %get3A_967 : i32 to index
      %get3A_969 = arith.constant 256 : index
      %get3A_970 = tpu.vector_load %arg6[%get3A_968, %get3A_969] {strides = array<i32>} : memref<2x512xf32, #tpu.memory_space<vmem>>, vector<1x16xf32>,
      %get3A_971 = vector.shape_cast %get3A_970 : vector<1x16xf32> to vector<16xf32>
      %add3A_972 = arith.constant 256 : i32
      %add3A_973 = vector.broadcast %add3A_972 : i32 to vector<16xi32>
      %add3A_974 = arith.addi %iota3A, %add3A_973 : vector<16xi32>
      %mul3A_975 = vector.broadcast %mul3A_517 : f32 to vector<16xf32>
      %mul3A_976 = arith.mulf %mul3A_975, %get3A_971 : vector<16xf32>
      %mul3A_977 = vector.broadcast %squeeze3A_514 : f32 to vector<16xf32>
      %mul3A_978 = arith.mulf %mul3A_977, %get3A_966 : vector<16xf32>
      %add3A_979 = arith.addf %mul3A_976, %mul3A_978 : vector<16xf32>
      %ge3A_980 = vector.broadcast %add3A_508 : i32 to vector<16xi32>
      %ge3A_981 = arith.cmpi sge, %add3A_974, %ge3A_980 : vector<16xi32>
      %jit3A_982 = arith.constant 0.000000e+00 : f32
      %broadcast_in_dim3A_983 = vector.broadcast %jit3A_982 : f32 to vector<16xf32>
      %select_n3A_984 = arith.select %ge3A_981, %add3A_979, %broadcast_in_dim3A_983 : vector<16xi1>, vector<16xf32>
      %sub3A_985 = vector.broadcast %squeeze3A : f32 to vector<16xf32>
      %sub3A_986 = arith.subf %sub3A_985, %select_n3A_984 : vector<16xf32>
      %swap3A_987 = arith.index_cast %scan3A_506 : i32 to index
      %swap3A_988 = arith.constant 256 : index
      %swap3A_989 = tpu.vector_load %arg5[%swap3A_987, %swap3A_988] {strides = array<i32>} : memref<64x512xf32, #tpu.memory_space<vmem>>, vector<1x16xf32>,
      %swap3A_990 = vector.shape_cast %swap3A_989 : vector<1x16xf32> to vector<16xf32>
      %swap3A_991 = vector.shape_cast %sub3A_986 : vector<16xf32> to vector<1x16xf32>
      tpu.vector_store %arg5[%swap3A_987, %swap3A_988], %swap3A_991 {strides = array<i32>} : memref<64x512xf32, #tpu.memory_space<vmem>>, vector<1x16xf32>,
      %get3A_992 = arith.constant 272 : index
      %get3A_993 = tpu.vector_load %arg8[%get3A_992] {strides = array<i32>} : memref<512xf32, #tpu.memory_space<vmem>>, vector<16xf32>,
      %get3A_994 = vector.shape_cast %get3A_993 : vector<16xf32> to vector<16xf32>
      %get3A_995 = arith.constant 1 : i32
      %get3A_996 = arith.index_cast %get3A_995 : i32 to index
      %get3A_997 = arith.constant 272 : index
      %get3A_998 = tpu.vector_load %arg6[%get3A_996, %get3A_997] {strides = array<i32>} : memref<2x512xf32, #tpu.memory_space<vmem>>, vector<1x16xf32>,
      %get3A_999 = vector.shape_cast %get3A_998 : vector<1x16xf32> to vector<16xf32>
      %add3A_1000 = arith.constant 272 : i32
      %add3A_1001 = vector.broadcast %add3A_1000 : i32 to vector<16xi32>
      %add3A_1002 = arith.addi %iota3A, %add3A_1001 : vector<16xi32>
      %mul3A_1003 = vector.broadcast %mul3A_517 : f32 to vector<16xf32>
      %mul3A_1004 = arith.mulf %mul3A_1003, %get3A_999 : vector<16xf32>
      %mul3A_1005 = vector.broadcast %squeeze3A_514 : f32 to vector<16xf32>
      %mul3A_1006 = arith.mulf %mul3A_1005, %get3A_994 : vector<16xf32>
      %add3A_1007 = arith.addf %mul3A_1004, %mul3A_1006 : vector<16xf32>
      %ge3A_1008 = vector.broadcast %add3A_508 : i32 to vector<16xi32>
      %ge3A_1009 = arith.cmpi sge, %add3A_1002, %ge3A_1008 : vector<16xi32>
      %jit3A_1010 = arith.constant 0.000000e+00 : f32
      %broadcast_in_dim3A_1011 = vector.broadcast %jit3A_1010 : f32 to vector<16xf32>
      %select_n3A_1012 = arith.select %ge3A_1009, %add3A_1007, %broadcast_in_dim3A_1011 : vector<16xi1>, vector<16xf32>
      %sub3A_1013 = vector.broadcast %squeeze3A : f32 to vector<16xf32>
      %sub3A_1014 = arith.subf %sub3A_1013, %select_n3A_1012 : vector<16xf32>
      %swap3A_1015 = arith.index_cast %scan3A_506 : i32 to index
      %swap3A_1016 = arith.constant 272 : index
      %swap3A_1017 = tpu.vector_load %arg5[%swap3A_1015, %swap3A_1016] {strides = array<i32>} : memref<64x512xf32, #tpu.memory_space<vmem>>, vector<1x16xf32>,
      %swap3A_1018 = vector.shape_cast %swap3A_1017 : vector<1x16xf32> to vector<16xf32>
      %swap3A_1019 = vector.shape_cast %sub3A_1014 : vector<16xf32> to vector<1x16xf32>
      tpu.vector_store %arg5[%swap3A_1015, %swap3A_1016], %swap3A_1019 {strides = array<i32>} : memref<64x512xf32, #tpu.memory_space<vmem>>, vector<1x16xf32>,
      %get3A_1020 = arith.constant 288 : index
      %get3A_1021 = tpu.vector_load %arg8[%get3A_1020] {strides = array<i32>} : memref<512xf32, #tpu.memory_space<vmem>>, vector<16xf32>,
      %get3A_1022 = vector.shape_cast %get3A_1021 : vector<16xf32> to vector<16xf32>
      %get3A_1023 = arith.constant 1 : i32
      %get3A_1024 = arith.index_cast %get3A_1023 : i32 to index
      %get3A_1025 = arith.constant 288 : index
      %get3A_1026 = tpu.vector_load %arg6[%get3A_1024, %get3A_1025] {strides = array<i32>} : memref<2x512xf32, #tpu.memory_space<vmem>>, vector<1x16xf32>,
      %get3A_1027 = vector.shape_cast %get3A_1026 : vector<1x16xf32> to vector<16xf32>
      %add3A_1028 = arith.constant 288 : i32
      %add3A_1029 = vector.broadcast %add3A_1028 : i32 to vector<16xi32>
      %add3A_1030 = arith.addi %iota3A, %add3A_1029 : vector<16xi32>
      %mul3A_1031 = vector.broadcast %mul3A_517 : f32 to vector<16xf32>
      %mul3A_1032 = arith.mulf %mul3A_1031, %get3A_1027 : vector<16xf32>
      %mul3A_1033 = vector.broadcast %squeeze3A_514 : f32 to vector<16xf32>
      %mul3A_1034 = arith.mulf %mul3A_1033, %get3A_1022 : vector<16xf32>
      %add3A_1035 = arith.addf %mul3A_1032, %mul3A_1034 : vector<16xf32>
      %ge3A_1036 = vector.broadcast %add3A_508 : i32 to vector<16xi32>
      %ge3A_1037 = arith.cmpi sge, %add3A_1030, %ge3A_1036 : vector<16xi32>
      %jit3A_1038 = arith.constant 0.000000e+00 : f32
      %broadcast_in_dim3A_1039 = vector.broadcast %jit3A_1038 : f32 to vector<16xf32>
      %select_n3A_1040 = arith.select %ge3A_1037, %add3A_1035, %broadcast_in_dim3A_1039 : vector<16xi1>, vector<16xf32>
      %sub3A_1041 = vector.broadcast %squeeze3A : f32 to vector<16xf32>
      %sub3A_1042 = arith.subf %sub3A_1041, %select_n3A_1040 : vector<16xf32>
      %swap3A_1043 = arith.index_cast %scan3A_506 : i32 to index
      %swap3A_1044 = arith.constant 288 : index
      %swap3A_1045 = tpu.vector_load %arg5[%swap3A_1043, %swap3A_1044] {strides = array<i32>} : memref<64x512xf32, #tpu.memory_space<vmem>>, vector<1x16xf32>,
      %swap3A_1046 = vector.shape_cast %swap3A_1045 : vector<1x16xf32> to vector<16xf32>
      %swap3A_1047 = vector.shape_cast %sub3A_1042 : vector<16xf32> to vector<1x16xf32>
      tpu.vector_store %arg5[%swap3A_1043, %swap3A_1044], %swap3A_1047 {strides = array<i32>} : memref<64x512xf32, #tpu.memory_space<vmem>>, vector<1x16xf32>,
      %get3A_1048 = arith.constant 304 : index
      %get3A_1049 = tpu.vector_load %arg8[%get3A_1048] {strides = array<i32>} : memref<512xf32, #tpu.memory_space<vmem>>, vector<16xf32>,
      %get3A_1050 = vector.shape_cast %get3A_1049 : vector<16xf32> to vector<16xf32>
      %get3A_1051 = arith.constant 1 : i32
      %get3A_1052 = arith.index_cast %get3A_1051 : i32 to index
      %get3A_1053 = arith.constant 304 : index
      %get3A_1054 = tpu.vector_load %arg6[%get3A_1052, %get3A_1053] {strides = array<i32>} : memref<2x512xf32, #tpu.memory_space<vmem>>, vector<1x16xf32>,
      %get3A_1055 = vector.shape_cast %get3A_1054 : vector<1x16xf32> to vector<16xf32>
      %add3A_1056 = arith.constant 304 : i32
      %add3A_1057 = vector.broadcast %add3A_1056 : i32 to vector<16xi32>
      %add3A_1058 = arith.addi %iota3A, %add3A_1057 : vector<16xi32>
      %mul3A_1059 = vector.broadcast %mul3A_517 : f32 to vector<16xf32>
      %mul3A_1060 = arith.mulf %mul3A_1059, %get3A_1055 : vector<16xf32>
      %mul3A_1061 = vector.broadcast %squeeze3A_514 : f32 to vector<16xf32>
      %mul3A_1062 = arith.mulf %mul3A_1061, %get3A_1050 : vector<16xf32>
      %add3A_1063 = arith.addf %mul3A_1060, %mul3A_1062 : vector<16xf32>
      %ge3A_1064 = vector.broadcast %add3A_508 : i32 to vector<16xi32>
      %ge3A_1065 = arith.cmpi sge, %add3A_1058, %ge3A_1064 : vector<16xi32>
      %jit3A_1066 = arith.constant 0.000000e+00 : f32
      %broadcast_in_dim3A_1067 = vector.broadcast %jit3A_1066 : f32 to vector<16xf32>
      %select_n3A_1068 = arith.select %ge3A_1065, %add3A_1063, %broadcast_in_dim3A_1067 : vector<16xi1>, vector<16xf32>
      %sub3A_1069 = vector.broadcast %squeeze3A : f32 to vector<16xf32>
      %sub3A_1070 = arith.subf %sub3A_1069, %select_n3A_1068 : vector<16xf32>
      %swap3A_1071 = arith.index_cast %scan3A_506 : i32 to index
      %swap3A_1072 = arith.constant 304 : index
      %swap3A_1073 = tpu.vector_load %arg5[%swap3A_1071, %swap3A_1072] {strides = array<i32>} : memref<64x512xf32, #tpu.memory_space<vmem>>, vector<1x16xf32>,
      %swap3A_1074 = vector.shape_cast %swap3A_1073 : vector<1x16xf32> to vector<16xf32>
      %swap3A_1075 = vector.shape_cast %sub3A_1070 : vector<16xf32> to vector<1x16xf32>
      tpu.vector_store %arg5[%swap3A_1071, %swap3A_1072], %swap3A_1075 {strides = array<i32>} : memref<64x512xf32, #tpu.memory_space<vmem>>, vector<1x16xf32>,
      %get3A_1076 = arith.constant 320 : index
      %get3A_1077 = tpu.vector_load %arg8[%get3A_1076] {strides = array<i32>} : memref<512xf32, #tpu.memory_space<vmem>>, vector<16xf32>,
      %get3A_1078 = vector.shape_cast %get3A_1077 : vector<16xf32> to vector<16xf32>
      %get3A_1079 = arith.constant 1 : i32
      %get3A_1080 = arith.index_cast %get3A_1079 : i32 to index
      %get3A_1081 = arith.constant 320 : index
      %get3A_1082 = tpu.vector_load %arg6[%get3A_1080, %get3A_1081] {strides = array<i32>} : memref<2x512xf32, #tpu.memory_space<vmem>>, vector<1x16xf32>,
      %get3A_1083 = vector.shape_cast %get3A_1082 : vector<1x16xf32> to vector<16xf32>
      %add3A_1084 = arith.constant 320 : i32
      %add3A_1085 = vector.broadcast %add3A_1084 : i32 to vector<16xi32>
      %add3A_1086 = arith.addi %iota3A, %add3A_1085 : vector<16xi32>
      %mul3A_1087 = vector.broadcast %mul3A_517 : f32 to vector<16xf32>
      %mul3A_1088 = arith.mulf %mul3A_1087, %get3A_1083 : vector<16xf32>
      %mul3A_1089 = vector.broadcast %squeeze3A_514 : f32 to vector<16xf32>
      %mul3A_1090 = arith.mulf %mul3A_1089, %get3A_1078 : vector<16xf32>
      %add3A_1091 = arith.addf %mul3A_1088, %mul3A_1090 : vector<16xf32>
      %ge3A_1092 = vector.broadcast %add3A_508 : i32 to vector<16xi32>
      %ge3A_1093 = arith.cmpi sge, %add3A_1086, %ge3A_1092 : vector<16xi32>
      %jit3A_1094 = arith.constant 0.000000e+00 : f32
      %broadcast_in_dim3A_1095 = vector.broadcast %jit3A_1094 : f32 to vector<16xf32>
      %select_n3A_1096 = arith.select %ge3A_1093, %add3A_1091, %broadcast_in_dim3A_1095 : vector<16xi1>, vector<16xf32>
      %sub3A_1097 = vector.broadcast %squeeze3A : f32 to vector<16xf32>
      %sub3A_1098 = arith.subf %sub3A_1097, %select_n3A_1096 : vector<16xf32>
      %swap3A_1099 = arith.index_cast %scan3A_506 : i32 to index
      %swap3A_1100 = arith.constant 320 : index
      %swap3A_1101 = tpu.vector_load %arg5[%swap3A_1099, %swap3A_1100] {strides = array<i32>} : memref<64x512xf32, #tpu.memory_space<vmem>>, vector<1x16xf32>,
      %swap3A_1102 = vector.shape_cast %swap3A_1101 : vector<1x16xf32> to vector<16xf32>
      %swap3A_1103 = vector.shape_cast %sub3A_1098 : vector<16xf32> to vector<1x16xf32>
      tpu.vector_store %arg5[%swap3A_1099, %swap3A_1100], %swap3A_1103 {strides = array<i32>} : memref<64x512xf32, #tpu.memory_space<vmem>>, vector<1x16xf32>,
      %get3A_1104 = arith.constant 336 : index
      %get3A_1105 = tpu.vector_load %arg8[%get3A_1104] {strides = array<i32>} : memref<512xf32, #tpu.memory_space<vmem>>, vector<16xf32>,
      %get3A_1106 = vector.shape_cast %get3A_1105 : vector<16xf32> to vector<16xf32>
      %get3A_1107 = arith.constant 1 : i32
      %get3A_1108 = arith.index_cast %get3A_1107 : i32 to index
      %get3A_1109 = arith.constant 336 : index
      %get3A_1110 = tpu.vector_load %arg6[%get3A_1108, %get3A_1109] {strides = array<i32>} : memref<2x512xf32, #tpu.memory_space<vmem>>, vector<1x16xf32>,
      %get3A_1111 = vector.shape_cast %get3A_1110 : vector<1x16xf32> to vector<16xf32>
      %add3A_1112 = arith.constant 336 : i32
      %add3A_1113 = vector.broadcast %add3A_1112 : i32 to vector<16xi32>
      %add3A_1114 = arith.addi %iota3A, %add3A_1113 : vector<16xi32>
      %mul3A_1115 = vector.broadcast %mul3A_517 : f32 to vector<16xf32>
      %mul3A_1116 = arith.mulf %mul3A_1115, %get3A_1111 : vector<16xf32>
      %mul3A_1117 = vector.broadcast %squeeze3A_514 : f32 to vector<16xf32>
      %mul3A_1118 = arith.mulf %mul3A_1117, %get3A_1106 : vector<16xf32>
      %add3A_1119 = arith.addf %mul3A_1116, %mul3A_1118 : vector<16xf32>
      %ge3A_1120 = vector.broadcast %add3A_508 : i32 to vector<16xi32>
      %ge3A_1121 = arith.cmpi sge, %add3A_1114, %ge3A_1120 : vector<16xi32>
      %jit3A_1122 = arith.constant 0.000000e+00 : f32
      %broadcast_in_dim3A_1123 = vector.broadcast %jit3A_1122 : f32 to vector<16xf32>
      %select_n3A_1124 = arith.select %ge3A_1121, %add3A_1119, %broadcast_in_dim3A_1123 : vector<16xi1>, vector<16xf32>
      %sub3A_1125 = vector.broadcast %squeeze3A : f32 to vector<16xf32>
      %sub3A_1126 = arith.subf %sub3A_1125, %select_n3A_1124 : vector<16xf32>
      %swap3A_1127 = arith.index_cast %scan3A_506 : i32 to index
      %swap3A_1128 = arith.constant 336 : index
      %swap3A_1129 = tpu.vector_load %arg5[%swap3A_1127, %swap3A_1128] {strides = array<i32>} : memref<64x512xf32, #tpu.memory_space<vmem>>, vector<1x16xf32>,
      %swap3A_1130 = vector.shape_cast %swap3A_1129 : vector<1x16xf32> to vector<16xf32>
      %swap3A_1131 = vector.shape_cast %sub3A_1126 : vector<16xf32> to vector<1x16xf32>
      tpu.vector_store %arg5[%swap3A_1127, %swap3A_1128], %swap3A_1131 {strides = array<i32>} : memref<64x512xf32, #tpu.memory_space<vmem>>, vector<1x16xf32>,
      %get3A_1132 = arith.constant 352 : index
      %get3A_1133 = tpu.vector_load %arg8[%get3A_1132] {strides = array<i32>} : memref<512xf32, #tpu.memory_space<vmem>>, vector<16xf32>,
      %get3A_1134 = vector.shape_cast %get3A_1133 : vector<16xf32> to vector<16xf32>
      %get3A_1135 = arith.constant 1 : i32
      %get3A_1136 = arith.index_cast %get3A_1135 : i32 to index
      %get3A_1137 = arith.constant 352 : index
      %get3A_1138 = tpu.vector_load %arg6[%get3A_1136, %get3A_1137] {strides = array<i32>} : memref<2x512xf32, #tpu.memory_space<vmem>>, vector<1x16xf32>,
      %get3A_1139 = vector.shape_cast %get3A_1138 : vector<1x16xf32> to vector<16xf32>
      %add3A_1140 = arith.constant 352 : i32
      %add3A_1141 = vector.broadcast %add3A_1140 : i32 to vector<16xi32>
      %add3A_1142 = arith.addi %iota3A, %add3A_1141 : vector<16xi32>
      %mul3A_1143 = vector.broadcast %mul3A_517 : f32 to vector<16xf32>
      %mul3A_1144 = arith.mulf %mul3A_1143, %get3A_1139 : vector<16xf32>
      %mul3A_1145 = vector.broadcast %squeeze3A_514 : f32 to vector<16xf32>
      %mul3A_1146 = arith.mulf %mul3A_1145, %get3A_1134 : vector<16xf32>
      %add3A_1147 = arith.addf %mul3A_1144, %mul3A_1146 : vector<16xf32>
      %ge3A_1148 = vector.broadcast %add3A_508 : i32 to vector<16xi32>
      %ge3A_1149 = arith.cmpi sge, %add3A_1142, %ge3A_1148 : vector<16xi32>
      %jit3A_1150 = arith.constant 0.000000e+00 : f32
      %broadcast_in_dim3A_1151 = vector.broadcast %jit3A_1150 : f32 to vector<16xf32>
      %select_n3A_1152 = arith.select %ge3A_1149, %add3A_1147, %broadcast_in_dim3A_1151 : vector<16xi1>, vector<16xf32>
      %sub3A_1153 = vector.broadcast %squeeze3A : f32 to vector<16xf32>
      %sub3A_1154 = arith.subf %sub3A_1153, %select_n3A_1152 : vector<16xf32>
      %swap3A_1155 = arith.index_cast %scan3A_506 : i32 to index
      %swap3A_1156 = arith.constant 352 : index
      %swap3A_1157 = tpu.vector_load %arg5[%swap3A_1155, %swap3A_1156] {strides = array<i32>} : memref<64x512xf32, #tpu.memory_space<vmem>>, vector<1x16xf32>,
      %swap3A_1158 = vector.shape_cast %swap3A_1157 : vector<1x16xf32> to vector<16xf32>
      %swap3A_1159 = vector.shape_cast %sub3A_1154 : vector<16xf32> to vector<1x16xf32>
      tpu.vector_store %arg5[%swap3A_1155, %swap3A_1156], %swap3A_1159 {strides = array<i32>} : memref<64x512xf32, #tpu.memory_space<vmem>>, vector<1x16xf32>,
      %get3A_1160 = arith.constant 368 : index
      %get3A_1161 = tpu.vector_load %arg8[%get3A_1160] {strides = array<i32>} : memref<512xf32, #tpu.memory_space<vmem>>, vector<16xf32>,
      %get3A_1162 = vector.shape_cast %get3A_1161 : vector<16xf32> to vector<16xf32>
      %get3A_1163 = arith.constant 1 : i32
      %get3A_1164 = arith.index_cast %get3A_1163 : i32 to index
      %get3A_1165 = arith.constant 368 : index
      %get3A_1166 = tpu.vector_load %arg6[%get3A_1164, %get3A_1165] {strides = array<i32>} : memref<2x512xf32, #tpu.memory_space<vmem>>, vector<1x16xf32>,
      %get3A_1167 = vector.shape_cast %get3A_1166 : vector<1x16xf32> to vector<16xf32>
      %add3A_1168 = arith.constant 368 : i32
      %add3A_1169 = vector.broadcast %add3A_1168 : i32 to vector<16xi32>
      %add3A_1170 = arith.addi %iota3A, %add3A_1169 : vector<16xi32>
      %mul3A_1171 = vector.broadcast %mul3A_517 : f32 to vector<16xf32>
      %mul3A_1172 = arith.mulf %mul3A_1171, %get3A_1167 : vector<16xf32>
      %mul3A_1173 = vector.broadcast %squeeze3A_514 : f32 to vector<16xf32>
      %mul3A_1174 = arith.mulf %mul3A_1173, %get3A_1162 : vector<16xf32>
      %add3A_1175 = arith.addf %mul3A_1172, %mul3A_1174 : vector<16xf32>
      %ge3A_1176 = vector.broadcast %add3A_508 : i32 to vector<16xi32>
      %ge3A_1177 = arith.cmpi sge, %add3A_1170, %ge3A_1176 : vector<16xi32>
      %jit3A_1178 = arith.constant 0.000000e+00 : f32
      %broadcast_in_dim3A_1179 = vector.broadcast %jit3A_1178 : f32 to vector<16xf32>
      %select_n3A_1180 = arith.select %ge3A_1177, %add3A_1175, %broadcast_in_dim3A_1179 : vector<16xi1>, vector<16xf32>
      %sub3A_1181 = vector.broadcast %squeeze3A : f32 to vector<16xf32>
      %sub3A_1182 = arith.subf %sub3A_1181, %select_n3A_1180 : vector<16xf32>
      %swap3A_1183 = arith.index_cast %scan3A_506 : i32 to index
      %swap3A_1184 = arith.constant 368 : index
      %swap3A_1185 = tpu.vector_load %arg5[%swap3A_1183, %swap3A_1184] {strides = array<i32>} : memref<64x512xf32, #tpu.memory_space<vmem>>, vector<1x16xf32>,
      %swap3A_1186 = vector.shape_cast %swap3A_1185 : vector<1x16xf32> to vector<16xf32>
      %swap3A_1187 = vector.shape_cast %sub3A_1182 : vector<16xf32> to vector<1x16xf32>
      tpu.vector_store %arg5[%swap3A_1183, %swap3A_1184], %swap3A_1187 {strides = array<i32>} : memref<64x512xf32, #tpu.memory_space<vmem>>, vector<1x16xf32>,
      %get3A_1188 = arith.constant 384 : index
      %get3A_1189 = tpu.vector_load %arg8[%get3A_1188] {strides = array<i32>} : memref<512xf32, #tpu.memory_space<vmem>>, vector<16xf32>,
      %get3A_1190 = vector.shape_cast %get3A_1189 : vector<16xf32> to vector<16xf32>
      %get3A_1191 = arith.constant 1 : i32
      %get3A_1192 = arith.index_cast %get3A_1191 : i32 to index
      %get3A_1193 = arith.constant 384 : index
      %get3A_1194 = tpu.vector_load %arg6[%get3A_1192, %get3A_1193] {strides = array<i32>} : memref<2x512xf32, #tpu.memory_space<vmem>>, vector<1x16xf32>,
      %get3A_1195 = vector.shape_cast %get3A_1194 : vector<1x16xf32> to vector<16xf32>
      %add3A_1196 = arith.constant 384 : i32
      %add3A_1197 = vector.broadcast %add3A_1196 : i32 to vector<16xi32>
      %add3A_1198 = arith.addi %iota3A, %add3A_1197 : vector<16xi32>
      %mul3A_1199 = vector.broadcast %mul3A_517 : f32 to vector<16xf32>
      %mul3A_1200 = arith.mulf %mul3A_1199, %get3A_1195 : vector<16xf32>
      %mul3A_1201 = vector.broadcast %squeeze3A_514 : f32 to vector<16xf32>
      %mul3A_1202 = arith.mulf %mul3A_1201, %get3A_1190 : vector<16xf32>
      %add3A_1203 = arith.addf %mul3A_1200, %mul3A_1202 : vector<16xf32>
      %ge3A_1204 = vector.broadcast %add3A_508 : i32 to vector<16xi32>
      %ge3A_1205 = arith.cmpi sge, %add3A_1198, %ge3A_1204 : vector<16xi32>
      %jit3A_1206 = arith.constant 0.000000e+00 : f32
      %broadcast_in_dim3A_1207 = vector.broadcast %jit3A_1206 : f32 to vector<16xf32>
      %select_n3A_1208 = arith.select %ge3A_1205, %add3A_1203, %broadcast_in_dim3A_1207 : vector<16xi1>, vector<16xf32>
      %sub3A_1209 = vector.broadcast %squeeze3A : f32 to vector<16xf32>
      %sub3A_1210 = arith.subf %sub3A_1209, %select_n3A_1208 : vector<16xf32>
      %swap3A_1211 = arith.index_cast %scan3A_506 : i32 to index
      %swap3A_1212 = arith.constant 384 : index
      %swap3A_1213 = tpu.vector_load %arg5[%swap3A_1211, %swap3A_1212] {strides = array<i32>} : memref<64x512xf32, #tpu.memory_space<vmem>>, vector<1x16xf32>,
      %swap3A_1214 = vector.shape_cast %swap3A_1213 : vector<1x16xf32> to vector<16xf32>
      %swap3A_1215 = vector.shape_cast %sub3A_1210 : vector<16xf32> to vector<1x16xf32>
      tpu.vector_store %arg5[%swap3A_1211, %swap3A_1212], %swap3A_1215 {strides = array<i32>} : memref<64x512xf32, #tpu.memory_space<vmem>>, vector<1x16xf32>,
      %get3A_1216 = arith.constant 400 : index
      %get3A_1217 = tpu.vector_load %arg8[%get3A_1216] {strides = array<i32>} : memref<512xf32, #tpu.memory_space<vmem>>, vector<16xf32>,
      %get3A_1218 = vector.shape_cast %get3A_1217 : vector<16xf32> to vector<16xf32>
      %get3A_1219 = arith.constant 1 : i32
      %get3A_1220 = arith.index_cast %get3A_1219 : i32 to index
      %get3A_1221 = arith.constant 400 : index
      %get3A_1222 = tpu.vector_load %arg6[%get3A_1220, %get3A_1221] {strides = array<i32>} : memref<2x512xf32, #tpu.memory_space<vmem>>, vector<1x16xf32>,
      %get3A_1223 = vector.shape_cast %get3A_1222 : vector<1x16xf32> to vector<16xf32>
      %add3A_1224 = arith.constant 400 : i32
      %add3A_1225 = vector.broadcast %add3A_1224 : i32 to vector<16xi32>
      %add3A_1226 = arith.addi %iota3A, %add3A_1225 : vector<16xi32>
      %mul3A_1227 = vector.broadcast %mul3A_517 : f32 to vector<16xf32>
      %mul3A_1228 = arith.mulf %mul3A_1227, %get3A_1223 : vector<16xf32>
      %mul3A_1229 = vector.broadcast %squeeze3A_514 : f32 to vector<16xf32>
      %mul3A_1230 = arith.mulf %mul3A_1229, %get3A_1218 : vector<16xf32>
      %add3A_1231 = arith.addf %mul3A_1228, %mul3A_1230 : vector<16xf32>
      %ge3A_1232 = vector.broadcast %add3A_508 : i32 to vector<16xi32>
      %ge3A_1233 = arith.cmpi sge, %add3A_1226, %ge3A_1232 : vector<16xi32>
      %jit3A_1234 = arith.constant 0.000000e+00 : f32
      %broadcast_in_dim3A_1235 = vector.broadcast %jit3A_1234 : f32 to vector<16xf32>
      %select_n3A_1236 = arith.select %ge3A_1233, %add3A_1231, %broadcast_in_dim3A_1235 : vector<16xi1>, vector<16xf32>
      %sub3A_1237 = vector.broadcast %squeeze3A : f32 to vector<16xf32>
      %sub3A_1238 = arith.subf %sub3A_1237, %select_n3A_1236 : vector<16xf32>
      %swap3A_1239 = arith.index_cast %scan3A_506 : i32 to index
      %swap3A_1240 = arith.constant 400 : index
      %swap3A_1241 = tpu.vector_load %arg5[%swap3A_1239, %swap3A_1240] {strides = array<i32>} : memref<64x512xf32, #tpu.memory_space<vmem>>, vector<1x16xf32>,
      %swap3A_1242 = vector.shape_cast %swap3A_1241 : vector<1x16xf32> to vector<16xf32>
      %swap3A_1243 = vector.shape_cast %sub3A_1238 : vector<16xf32> to vector<1x16xf32>
      tpu.vector_store %arg5[%swap3A_1239, %swap3A_1240], %swap3A_1243 {strides = array<i32>} : memref<64x512xf32, #tpu.memory_space<vmem>>, vector<1x16xf32>,
      %get3A_1244 = arith.constant 416 : index
      %get3A_1245 = tpu.vector_load %arg8[%get3A_1244] {strides = array<i32>} : memref<512xf32, #tpu.memory_space<vmem>>, vector<16xf32>,
      %get3A_1246 = vector.shape_cast %get3A_1245 : vector<16xf32> to vector<16xf32>
      %get3A_1247 = arith.constant 1 : i32
      %get3A_1248 = arith.index_cast %get3A_1247 : i32 to index
      %get3A_1249 = arith.constant 416 : index
      %get3A_1250 = tpu.vector_load %arg6[%get3A_1248, %get3A_1249] {strides = array<i32>} : memref<2x512xf32, #tpu.memory_space<vmem>>, vector<1x16xf32>,
      %get3A_1251 = vector.shape_cast %get3A_1250 : vector<1x16xf32> to vector<16xf32>
      %add3A_1252 = arith.constant 416 : i32
      %add3A_1253 = vector.broadcast %add3A_1252 : i32 to vector<16xi32>
      %add3A_1254 = arith.addi %iota3A, %add3A_1253 : vector<16xi32>
      %mul3A_1255 = vector.broadcast %mul3A_517 : f32 to vector<16xf32>
      %mul3A_1256 = arith.mulf %mul3A_1255, %get3A_1251 : vector<16xf32>
      %mul3A_1257 = vector.broadcast %squeeze3A_514 : f32 to vector<16xf32>
      %mul3A_1258 = arith.mulf %mul3A_1257, %get3A_1246 : vector<16xf32>
      %add3A_1259 = arith.addf %mul3A_1256, %mul3A_1258 : vector<16xf32>
      %ge3A_1260 = vector.broadcast %add3A_508 : i32 to vector<16xi32>
      %ge3A_1261 = arith.cmpi sge, %add3A_1254, %ge3A_1260 : vector<16xi32>
      %jit3A_1262 = arith.constant 0.000000e+00 : f32
      %broadcast_in_dim3A_1263 = vector.broadcast %jit3A_1262 : f32 to vector<16xf32>
      %select_n3A_1264 = arith.select %ge3A_1261, %add3A_1259, %broadcast_in_dim3A_1263 : vector<16xi1>, vector<16xf32>
      %sub3A_1265 = vector.broadcast %squeeze3A : f32 to vector<16xf32>
      %sub3A_1266 = arith.subf %sub3A_1265, %select_n3A_1264 : vector<16xf32>
      %swap3A_1267 = arith.index_cast %scan3A_506 : i32 to index
      %swap3A_1268 = arith.constant 416 : index
      %swap3A_1269 = tpu.vector_load %arg5[%swap3A_1267, %swap3A_1268] {strides = array<i32>} : memref<64x512xf32, #tpu.memory_space<vmem>>, vector<1x16xf32>,
      %swap3A_1270 = vector.shape_cast %swap3A_1269 : vector<1x16xf32> to vector<16xf32>
      %swap3A_1271 = vector.shape_cast %sub3A_1266 : vector<16xf32> to vector<1x16xf32>
      tpu.vector_store %arg5[%swap3A_1267, %swap3A_1268], %swap3A_1271 {strides = array<i32>} : memref<64x512xf32, #tpu.memory_space<vmem>>, vector<1x16xf32>,
      %get3A_1272 = arith.constant 432 : index
      %get3A_1273 = tpu.vector_load %arg8[%get3A_1272] {strides = array<i32>} : memref<512xf32, #tpu.memory_space<vmem>>, vector<16xf32>,
      %get3A_1274 = vector.shape_cast %get3A_1273 : vector<16xf32> to vector<16xf32>
      %get3A_1275 = arith.constant 1 : i32
      %get3A_1276 = arith.index_cast %get3A_1275 : i32 to index
      %get3A_1277 = arith.constant 432 : index
      %get3A_1278 = tpu.vector_load %arg6[%get3A_1276, %get3A_1277] {strides = array<i32>} : memref<2x512xf32, #tpu.memory_space<vmem>>, vector<1x16xf32>,
      %get3A_1279 = vector.shape_cast %get3A_1278 : vector<1x16xf32> to vector<16xf32>
      %add3A_1280 = arith.constant 432 : i32
      %add3A_1281 = vector.broadcast %add3A_1280 : i32 to vector<16xi32>
      %add3A_1282 = arith.addi %iota3A, %add3A_1281 : vector<16xi32>
      %mul3A_1283 = vector.broadcast %mul3A_517 : f32 to vector<16xf32>
      %mul3A_1284 = arith.mulf %mul3A_1283, %get3A_1279 : vector<16xf32>
      %mul3A_1285 = vector.broadcast %squeeze3A_514 : f32 to vector<16xf32>
      %mul3A_1286 = arith.mulf %mul3A_1285, %get3A_1274 : vector<16xf32>
      %add3A_1287 = arith.addf %mul3A_1284, %mul3A_1286 : vector<16xf32>
      %ge3A_1288 = vector.broadcast %add3A_508 : i32 to vector<16xi32>
      %ge3A_1289 = arith.cmpi sge, %add3A_1282, %ge3A_1288 : vector<16xi32>
      %jit3A_1290 = arith.constant 0.000000e+00 : f32
      %broadcast_in_dim3A_1291 = vector.broadcast %jit3A_1290 : f32 to vector<16xf32>
      %select_n3A_1292 = arith.select %ge3A_1289, %add3A_1287, %broadcast_in_dim3A_1291 : vector<16xi1>, vector<16xf32>
      %sub3A_1293 = vector.broadcast %squeeze3A : f32 to vector<16xf32>
      %sub3A_1294 = arith.subf %sub3A_1293, %select_n3A_1292 : vector<16xf32>
      %swap3A_1295 = arith.index_cast %scan3A_506 : i32 to index
      %swap3A_1296 = arith.constant 432 : index
      %swap3A_1297 = tpu.vector_load %arg5[%swap3A_1295, %swap3A_1296] {strides = array<i32>} : memref<64x512xf32, #tpu.memory_space<vmem>>, vector<1x16xf32>,
      %swap3A_1298 = vector.shape_cast %swap3A_1297 : vector<1x16xf32> to vector<16xf32>
      %swap3A_1299 = vector.shape_cast %sub3A_1294 : vector<16xf32> to vector<1x16xf32>
      tpu.vector_store %arg5[%swap3A_1295, %swap3A_1296], %swap3A_1299 {strides = array<i32>} : memref<64x512xf32, #tpu.memory_space<vmem>>, vector<1x16xf32>,
      %get3A_1300 = arith.constant 448 : index
      %get3A_1301 = tpu.vector_load %arg8[%get3A_1300] {strides = array<i32>} : memref<512xf32, #tpu.memory_space<vmem>>, vector<16xf32>,
      %get3A_1302 = vector.shape_cast %get3A_1301 : vector<16xf32> to vector<16xf32>
      %get3A_1303 = arith.constant 1 : i32
      %get3A_1304 = arith.index_cast %get3A_1303 : i32 to index
      %get3A_1305 = arith.constant 448 : index
      %get3A_1306 = tpu.vector_load %arg6[%get3A_1304, %get3A_1305] {strides = array<i32>} : memref<2x512xf32, #tpu.memory_space<vmem>>, vector<1x16xf32>,
      %get3A_1307 = vector.shape_cast %get3A_1306 : vector<1x16xf32> to vector<16xf32>
      %add3A_1308 = arith.constant 448 : i32
      %add3A_1309 = vector.broadcast %add3A_1308 : i32 to vector<16xi32>
      %add3A_1310 = arith.addi %iota3A, %add3A_1309 : vector<16xi32>
      %mul3A_1311 = vector.broadcast %mul3A_517 : f32 to vector<16xf32>
      %mul3A_1312 = arith.mulf %mul3A_1311, %get3A_1307 : vector<16xf32>
      %mul3A_1313 = vector.broadcast %squeeze3A_514 : f32 to vector<16xf32>
      %mul3A_1314 = arith.mulf %mul3A_1313, %get3A_1302 : vector<16xf32>
      %add3A_1315 = arith.addf %mul3A_1312, %mul3A_1314 : vector<16xf32>
      %ge3A_1316 = vector.broadcast %add3A_508 : i32 to vector<16xi32>
      %ge3A_1317 = arith.cmpi sge, %add3A_1310, %ge3A_1316 : vector<16xi32>
      %jit3A_1318 = arith.constant 0.000000e+00 : f32
      %broadcast_in_dim3A_1319 = vector.broadcast %jit3A_1318 : f32 to vector<16xf32>
      %select_n3A_1320 = arith.select %ge3A_1317, %add3A_1315, %broadcast_in_dim3A_1319 : vector<16xi1>, vector<16xf32>
      %sub3A_1321 = vector.broadcast %squeeze3A : f32 to vector<16xf32>
      %sub3A_1322 = arith.subf %sub3A_1321, %select_n3A_1320 : vector<16xf32>
      %swap3A_1323 = arith.index_cast %scan3A_506 : i32 to index
      %swap3A_1324 = arith.constant 448 : index
      %swap3A_1325 = tpu.vector_load %arg5[%swap3A_1323, %swap3A_1324] {strides = array<i32>} : memref<64x512xf32, #tpu.memory_space<vmem>>, vector<1x16xf32>,
      %swap3A_1326 = vector.shape_cast %swap3A_1325 : vector<1x16xf32> to vector<16xf32>
      %swap3A_1327 = vector.shape_cast %sub3A_1322 : vector<16xf32> to vector<1x16xf32>
      tpu.vector_store %arg5[%swap3A_1323, %swap3A_1324], %swap3A_1327 {strides = array<i32>} : memref<64x512xf32, #tpu.memory_space<vmem>>, vector<1x16xf32>,
      %get3A_1328 = arith.constant 464 : index
      %get3A_1329 = tpu.vector_load %arg8[%get3A_1328] {strides = array<i32>} : memref<512xf32, #tpu.memory_space<vmem>>, vector<16xf32>,
      %get3A_1330 = vector.shape_cast %get3A_1329 : vector<16xf32> to vector<16xf32>
      %get3A_1331 = arith.constant 1 : i32
      %get3A_1332 = arith.index_cast %get3A_1331 : i32 to index
      %get3A_1333 = arith.constant 464 : index
      %get3A_1334 = tpu.vector_load %arg6[%get3A_1332, %get3A_1333] {strides = array<i32>} : memref<2x512xf32, #tpu.memory_space<vmem>>, vector<1x16xf32>,
      %get3A_1335 = vector.shape_cast %get3A_1334 : vector<1x16xf32> to vector<16xf32>
      %add3A_1336 = arith.constant 464 : i32
      %add3A_1337 = vector.broadcast %add3A_1336 : i32 to vector<16xi32>
      %add3A_1338 = arith.addi %iota3A, %add3A_1337 : vector<16xi32>
      %mul3A_1339 = vector.broadcast %mul3A_517 : f32 to vector<16xf32>
      %mul3A_1340 = arith.mulf %mul3A_1339, %get3A_1335 : vector<16xf32>
      %mul3A_1341 = vector.broadcast %squeeze3A_514 : f32 to vector<16xf32>
      %mul3A_1342 = arith.mulf %mul3A_1341, %get3A_1330 : vector<16xf32>
      %add3A_1343 = arith.addf %mul3A_1340, %mul3A_1342 : vector<16xf32>
      %ge3A_1344 = vector.broadcast %add3A_508 : i32 to vector<16xi32>
      %ge3A_1345 = arith.cmpi sge, %add3A_1338, %ge3A_1344 : vector<16xi32>
      %jit3A_1346 = arith.constant 0.000000e+00 : f32
      %broadcast_in_dim3A_1347 = vector.broadcast %jit3A_1346 : f32 to vector<16xf32>
      %select_n3A_1348 = arith.select %ge3A_1345, %add3A_1343, %broadcast_in_dim3A_1347 : vector<16xi1>, vector<16xf32>
      %sub3A_1349 = vector.broadcast %squeeze3A : f32 to vector<16xf32>
      %sub3A_1350 = arith.subf %sub3A_1349, %select_n3A_1348 : vector<16xf32>
      %swap3A_1351 = arith.index_cast %scan3A_506 : i32 to index
      %swap3A_1352 = arith.constant 464 : index
      %swap3A_1353 = tpu.vector_load %arg5[%swap3A_1351, %swap3A_1352] {strides = array<i32>} : memref<64x512xf32, #tpu.memory_space<vmem>>, vector<1x16xf32>,
      %swap3A_1354 = vector.shape_cast %swap3A_1353 : vector<1x16xf32> to vector<16xf32>
      %swap3A_1355 = vector.shape_cast %sub3A_1350 : vector<16xf32> to vector<1x16xf32>
      tpu.vector_store %arg5[%swap3A_1351, %swap3A_1352], %swap3A_1355 {strides = array<i32>} : memref<64x512xf32, #tpu.memory_space<vmem>>, vector<1x16xf32>,
      %get3A_1356 = arith.constant 480 : index
      %get3A_1357 = tpu.vector_load %arg8[%get3A_1356] {strides = array<i32>} : memref<512xf32, #tpu.memory_space<vmem>>, vector<16xf32>,
      %get3A_1358 = vector.shape_cast %get3A_1357 : vector<16xf32> to vector<16xf32>
      %get3A_1359 = arith.constant 1 : i32
      %get3A_1360 = arith.index_cast %get3A_1359 : i32 to index
      %get3A_1361 = arith.constant 480 : index
      %get3A_1362 = tpu.vector_load %arg6[%get3A_1360, %get3A_1361] {strides = array<i32>} : memref<2x512xf32, #tpu.memory_space<vmem>>, vector<1x16xf32>,
      %get3A_1363 = vector.shape_cast %get3A_1362 : vector<1x16xf32> to vector<16xf32>
      %add3A_1364 = arith.constant 480 : i32
      %add3A_1365 = vector.broadcast %add3A_1364 : i32 to vector<16xi32>
      %add3A_1366 = arith.addi %iota3A, %add3A_1365 : vector<16xi32>
      %mul3A_1367 = vector.broadcast %mul3A_517 : f32 to vector<16xf32>
      %mul3A_1368 = arith.mulf %mul3A_1367, %get3A_1363 : vector<16xf32>
      %mul3A_1369 = vector.broadcast %squeeze3A_514 : f32 to vector<16xf32>
      %mul3A_1370 = arith.mulf %mul3A_1369, %get3A_1358 : vector<16xf32>
      %add3A_1371 = arith.addf %mul3A_1368, %mul3A_1370 : vector<16xf32>
      %ge3A_1372 = vector.broadcast %add3A_508 : i32 to vector<16xi32>
      %ge3A_1373 = arith.cmpi sge, %add3A_1366, %ge3A_1372 : vector<16xi32>
      %jit3A_1374 = arith.constant 0.000000e+00 : f32
      %broadcast_in_dim3A_1375 = vector.broadcast %jit3A_1374 : f32 to vector<16xf32>
      %select_n3A_1376 = arith.select %ge3A_1373, %add3A_1371, %broadcast_in_dim3A_1375 : vector<16xi1>, vector<16xf32>
      %sub3A_1377 = vector.broadcast %squeeze3A : f32 to vector<16xf32>
      %sub3A_1378 = arith.subf %sub3A_1377, %select_n3A_1376 : vector<16xf32>
      %swap3A_1379 = arith.index_cast %scan3A_506 : i32 to index
      %swap3A_1380 = arith.constant 480 : index
      %swap3A_1381 = tpu.vector_load %arg5[%swap3A_1379, %swap3A_1380] {strides = array<i32>} : memref<64x512xf32, #tpu.memory_space<vmem>>, vector<1x16xf32>,
      %swap3A_1382 = vector.shape_cast %swap3A_1381 : vector<1x16xf32> to vector<16xf32>
      %swap3A_1383 = vector.shape_cast %sub3A_1378 : vector<16xf32> to vector<1x16xf32>
      tpu.vector_store %arg5[%swap3A_1379, %swap3A_1380], %swap3A_1383 {strides = array<i32>} : memref<64x512xf32, #tpu.memory_space<vmem>>, vector<1x16xf32>,
      %get3A_1384 = arith.constant 496 : index
      %get3A_1385 = tpu.vector_load %arg8[%get3A_1384] {strides = array<i32>} : memref<512xf32, #tpu.memory_space<vmem>>, vector<16xf32>,
      %get3A_1386 = vector.shape_cast %get3A_1385 : vector<16xf32> to vector<16xf32>
      %get3A_1387 = arith.constant 1 : i32
      %get3A_1388 = arith.index_cast %get3A_1387 : i32 to index
      %get3A_1389 = arith.constant 496 : index
      %get3A_1390 = tpu.vector_load %arg6[%get3A_1388, %get3A_1389] {strides = array<i32>} : memref<2x512xf32, #tpu.memory_space<vmem>>, vector<1x16xf32>,
      %get3A_1391 = vector.shape_cast %get3A_1390 : vector<1x16xf32> to vector<16xf32>
      %add3A_1392 = arith.constant 496 : i32
      %add3A_1393 = vector.broadcast %add3A_1392 : i32 to vector<16xi32>
      %add3A_1394 = arith.addi %iota3A, %add3A_1393 : vector<16xi32>
      %mul3A_1395 = vector.broadcast %mul3A_517 : f32 to vector<16xf32>
      %mul3A_1396 = arith.mulf %mul3A_1395, %get3A_1391 : vector<16xf32>
      %mul3A_1397 = vector.broadcast %squeeze3A_514 : f32 to vector<16xf32>
      %mul3A_1398 = arith.mulf %mul3A_1397, %get3A_1386 : vector<16xf32>
      %add3A_1399 = arith.addf %mul3A_1396, %mul3A_1398 : vector<16xf32>
      %ge3A_1400 = vector.broadcast %add3A_508 : i32 to vector<16xi32>
      %ge3A_1401 = arith.cmpi sge, %add3A_1394, %ge3A_1400 : vector<16xi32>
      %jit3A_1402 = arith.constant 0.000000e+00 : f32
      %broadcast_in_dim3A_1403 = vector.broadcast %jit3A_1402 : f32 to vector<16xf32>
      %select_n3A_1404 = arith.select %ge3A_1401, %add3A_1399, %broadcast_in_dim3A_1403 : vector<16xi1>, vector<16xf32>
      %sub3A_1405 = vector.broadcast %squeeze3A : f32 to vector<16xf32>
      %sub3A_1406 = arith.subf %sub3A_1405, %select_n3A_1404 : vector<16xf32>
      %swap3A_1407 = arith.index_cast %scan3A_506 : i32 to index
      %swap3A_1408 = arith.constant 496 : index
      %swap3A_1409 = tpu.vector_load %arg5[%swap3A_1407, %swap3A_1408] {strides = array<i32>} : memref<64x512xf32, #tpu.memory_space<vmem>>, vector<1x16xf32>,
      %swap3A_1410 = vector.shape_cast %swap3A_1409 : vector<1x16xf32> to vector<16xf32>
      %swap3A_1411 = vector.shape_cast %sub3A_1406 : vector<16xf32> to vector<1x16xf32>
      tpu.vector_store %arg5[%swap3A_1407, %swap3A_1408], %swap3A_1411 {strides = array<i32>} : memref<64x512xf32, #tpu.memory_space<vmem>>, vector<1x16xf32>,
      %scan3A_1412 = arith.constant 0 : i32
      scf.yield %scan3A_1412 : i32
    }
    %scan3A_505 = arith.constant 64 : i32
    "tpu.region"() ({
      %run_scoped3A = tpu.sem_alloc : memref<!tpu.dma_semaphore, #tpu.memory_space<semaphore_mem>>
      %dma_start3A = arith.constant 0 : i32
      %dma_start3A_506 = tpu.memref_slice %arg4[%mul3A_2, %dma_start3A] : memref<2048x512xf32, #tpu.memory_space<hbm>> -> memref<64x512xf32, #tpu.memory_space<hbm>>
      %dma_start3A_507 = arith.constant 0 : i32
      %dma_start3A_508 = tpu.memref_slice %arg4[%mul3A_2, %dma_start3A_507] : memref<2048x512xf32, #tpu.memory_space<hbm>> -> memref<64x512xf32, #tpu.memory_space<hbm>>
      tpu.enqueue_dma source(%arg5 : memref<64x512xf32, #tpu.memory_space<vmem>>) target(%dma_start3A_508 : memref<64x512xf32, #tpu.memory_space<hbm>>) target_semaphore(%run_scoped3A : memref<!tpu.dma_semaphore, #tpu.memory_space<semaphore_mem>>)
      %dma_wait3A = arith.constant 0 : i32
      %dma_wait3A_509 = tpu.memref_slice %arg4[%mul3A_2, %dma_wait3A] : memref<2048x512xf32, #tpu.memory_space<hbm>> -> memref<64x512xf32, #tpu.memory_space<hbm>>
      %dma_wait3A_510 = arith.constant 0 : i32
      %dma_wait3A_511 = tpu.memref_slice %arg4[%mul3A_2, %dma_wait3A_510] : memref<2048x512xf32, #tpu.memory_space<hbm>> -> memref<64x512xf32, #tpu.memory_space<hbm>>
      tpu.wait_dma2 semaphore(%run_scoped3A : memref<!tpu.dma_semaphore, #tpu.memory_space<semaphore_mem>>) src(%arg5 : memref<64x512xf32, #tpu.memory_space<vmem>>) dst(%dma_wait3A_511 : memref<64x512xf32, #tpu.memory_space<hbm>>)
      tpu.yield
    }) : () -> ()
    return
  }
}

module attributes {stable_mosaic.version = 14 : i64} {
  func.func @_stats_kernel(%arg0: i32, %arg1: memref<1x512x768xf32, #tpu.memory_space<vmem>>, %arg2: memref<1x1x512xi32, #tpu.memory_space<vmem>>, %arg3: memref<768x64xf32, #tpu.memory_space<vmem>>, %arg4: memref<1x64xf32, #tpu.memory_space<vmem>>, %arg5: memref<1x64xf32, #tpu.memory_space<vmem>>, %arg6: memref<64x64xf32, #tpu.memory_space<vmem>>, %arg7: memref<1x64xf32, #tpu.memory_space<vmem>>, %arg8: memref<1x64xf32, #tpu.memory_space<vmem>>, %arg9: memref<1x512x16xf32, #tpu.memory_space<vmem>>, %arg10: memref<1x2x512xf32, #tpu.memory_space<vmem>>) attributes {dimension_semantics = [#tpu.dimension_semantics<arbitrary>], iteration_bounds = array<i64: 4>, scalar_prefetch = 0 : i64, scratch_operands = 0 : i64, tpu.core_type = #tpu.core_type<tc>, window_params = [{transform_indices = @transform_0, window_bounds = array<i64: 1, 512, 768>}, {transform_indices = @transform_1, window_bounds = array<i64: 1, 1, 512>}, {pipeline_mode = #tpu.pipeline_mode<synchronous>, transform_indices = @transform_2, window_bounds = array<i64: 768, 64>}, {pipeline_mode = #tpu.pipeline_mode<synchronous>, transform_indices = @transform_3, window_bounds = array<i64: 1, 64>}, {pipeline_mode = #tpu.pipeline_mode<synchronous>, transform_indices = @transform_4, window_bounds = array<i64: 1, 64>}, {pipeline_mode = #tpu.pipeline_mode<synchronous>, transform_indices = @transform_5, window_bounds = array<i64: 64, 64>}, {pipeline_mode = #tpu.pipeline_mode<synchronous>, transform_indices = @transform_6, window_bounds = array<i64: 1, 64>}, {pipeline_mode = #tpu.pipeline_mode<synchronous>, transform_indices = @transform_7, window_bounds = array<i64: 1, 64>}, {transform_indices = @transform_8, window_bounds = array<i64: 1, 512, 16>}, {transform_indices = @transform_9, window_bounds = array<i64: 1, 2, 512>}]} {
    %get3A = arith.constant 0 : index
    %get3A_0 = arith.constant 0 : index
    %get3A_1 = arith.constant 0 : index
    %get3A_2 = vector.load %arg1[%get3A, %get3A_0, %get3A_1] : memref<1x512x768xf32, #tpu.memory_space<vmem>>, vector<1x512x768xf32>
    %get3A_3 = vector.shape_cast %get3A_2 : vector<1x512x768xf32> to vector<512x768xf32>
    %get3A_4 = arith.constant 0 : index
    %get3A_5 = arith.constant 0 : index
    %get3A_6 = vector.load %arg5[%get3A_4, %get3A_5] : memref<1x64xf32, #tpu.memory_space<vmem>>, vector<1x64xf32>
    %get3A_7 = arith.constant 0 : index
    %get3A_8 = arith.constant 0 : index
    %get3A_9 = vector.load %arg8[%get3A_7, %get3A_8] : memref<1x64xf32, #tpu.memory_space<vmem>>, vector<1x64xf32>
    %get3A_10 = arith.constant 0 : index
    %get3A_11 = arith.constant 0 : index
    %get3A_12 = arith.constant 0 : index
    %get3A_13 = vector.load %arg2[%get3A_10, %get3A_11, %get3A_12] : memref<1x1x512xi32, #tpu.memory_space<vmem>>, vector<1x1x512xi32>
    %get3A_14 = vector.shape_cast %get3A_13 : vector<1x1x512xi32> to vector<1x512xi32>
    %get3A_15 = arith.constant dense<0> : vector<1x512xi32>
    %get3A_16 = arith.cmpi ne, %get3A_14, %get3A_15 : vector<1x512xi32>
    %convert_element_type3A = arith.extui %get3A_16 : vector<1x512xi1> to vector<1x512xi32>
    %convert_element_type3A_17 = arith.sitofp %convert_element_type3A : vector<1x512xi32> to vector<1x512xf32>
    %gt3A = arith.constant 0.000000e+00 : f32
    %gt3A_18 = vector.broadcast %gt3A : f32 to vector<1x512xf32>
    %gt3A_19 = arith.cmpf ogt, %convert_element_type3A_17, %gt3A_18 : vector<1x512xf32>
    %convert_element_type3A_20 = arith.truncf %get3A_3 : vector<512x768xf32> to vector<512x768xbf16>
    %get3A_21 = arith.constant 0 : index
    %get3A_22 = arith.constant 0 : index
    %get3A_23 = vector.load %arg3[%get3A_21, %get3A_22] : memref<768x64xf32, #tpu.memory_space<vmem>>, vector<768x64xf32>
    %convert_element_type3A_24 = arith.truncf %get3A_23 : vector<768x64xf32> to vector<768x64xbf16>
    %dot_general3A = arith.constant dense<0.000000e+00> : vector<512x64xf32>
    %dot_general3A_25 = tpu.matmul %convert_element_type3A_20, %convert_element_type3A_24, %dot_general3A {dimension_numbers = #tpu.dot_dimension_numbers<[1], [0], [0], [1], [0, 0, 1, 1], [], []>, transpose_lhs_hint = false} : vector<512x768xbf16>, vector<768x64xbf16>, vector<512x64xf32> -> vector<512x64xf32>
    %get3A_26 = arith.constant 0 : index
    %get3A_27 = arith.constant 0 : index
    %get3A_28 = vector.load %arg4[%get3A_26, %get3A_27] : memref<1x64xf32, #tpu.memory_space<vmem>>, vector<1x64xf32>
    %add3A = vector.broadcast %get3A_28 : vector<1x64xf32> to vector<512x64xf32>
    %add3A_29 = arith.addf %dot_general3A_25, %add3A : vector<512x64xf32>
    %mul3A = arith.constant 5.000000e-01 : f32
    %mul3A_30 = vector.broadcast %mul3A : f32 to vector<512x64xf32>
    %mul3A_31 = arith.mulf %mul3A_30, %add3A_29 : vector<512x64xf32>
    %mul3A_32 = arith.constant 4.471500e-02 : f32
    %mul3A_33 = vector.broadcast %mul3A_32 : f32 to vector<512x64xf32>
    %mul3A_34 = arith.mulf %mul3A_33, %add3A_29 : vector<512x64xf32>
    %mul3A_35 = arith.mulf %mul3A_34, %add3A_29 : vector<512x64xf32>
    %mul3A_36 = arith.mulf %mul3A_35, %add3A_29 : vector<512x64xf32>
    %add3A_37 = arith.addf %add3A_29, %mul3A_36 : vector<512x64xf32>
    %mul3A_38 = arith.constant 0.797884583 : f32
    %mul3A_39 = vector.broadcast %mul3A_38 : f32 to vector<512x64xf32>
    %mul3A_40 = arith.mulf %mul3A_39, %add3A_37 : vector<512x64xf32>
    %tanh3A = math.tanh %mul3A_40 : vector<512x64xf32>
    %add3A_41 = arith.constant 1.000000e+00 : f32
    %add3A_42 = vector.broadcast %add3A_41 : f32 to vector<512x64xf32>
    %add3A_43 = arith.addf %add3A_42, %tanh3A : vector<512x64xf32>
    %mul3A_44 = arith.mulf %mul3A_31, %add3A_43 : vector<512x64xf32>
    %dot_general3A_45 = arith.constant dense<0.000000e+00> : vector<1x512xf32>
    %dot_general3A_46 = tpu.matmul %get3A_6, %mul3A_44, %dot_general3A_45 {dimension_numbers = #tpu.dot_dimension_numbers<[1], [1], [0], [0], [0, 0, 1, 0], [], []>, transpose_lhs_hint = false} : vector<1x64xf32>, vector<512x64xf32>, vector<1x512xf32> -> vector<1x512xf32>
    %dot_general3A_47 = arith.constant dense<0.000000e+00> : vector<1x512xf32>
    %dot_general3A_48 = tpu.matmul %get3A_9, %mul3A_44, %dot_general3A_47 {dimension_numbers = #tpu.dot_dimension_numbers<[1], [1], [0], [0], [0, 0, 1, 0], [], []>, transpose_lhs_hint = false} : vector<1x64xf32>, vector<512x64xf32>, vector<1x512xf32> -> vector<1x512xf32>
    %get3A_49 = arith.constant 0 : index
    %get3A_50 = arith.constant 0 : index
    %get3A_51 = vector.load %arg6[%get3A_49, %get3A_50] : memref<64x64xf32, #tpu.memory_space<vmem>>, vector<64x64xf32>
    %dot_general3A_52 = arith.constant dense<0.000000e+00> : vector<512x64xf32>
    %dot_general3A_53 = tpu.matmul %mul3A_44, %get3A_51, %dot_general3A_52 {dimension_numbers = #tpu.dot_dimension_numbers<[1], [0], [0], [1], [0, 0, 1, 1], [], []>, transpose_lhs_hint = false} : vector<512x64xf32>, vector<64x64xf32>, vector<512x64xf32> -> vector<512x64xf32>
    %get3A_54 = arith.constant 0 : index
    %get3A_55 = arith.constant 0 : index
    %get3A_56 = vector.load %arg7[%get3A_54, %get3A_55] : memref<1x64xf32, #tpu.memory_space<vmem>>, vector<1x64xf32>
    %add3A_57 = vector.broadcast %get3A_56 : vector<1x64xf32> to vector<512x64xf32>
    %add3A_58 = arith.addf %dot_general3A_53, %add3A_57 : vector<512x64xf32>
    %mul3A_59 = arith.constant 5.000000e-01 : f32
    %mul3A_60 = vector.broadcast %mul3A_59 : f32 to vector<512x64xf32>
    %mul3A_61 = arith.mulf %mul3A_60, %add3A_58 : vector<512x64xf32>
    %mul3A_62 = arith.constant 4.471500e-02 : f32
    %mul3A_63 = vector.broadcast %mul3A_62 : f32 to vector<512x64xf32>
    %mul3A_64 = arith.mulf %mul3A_63, %add3A_58 : vector<512x64xf32>
    %mul3A_65 = arith.mulf %mul3A_64, %add3A_58 : vector<512x64xf32>
    %mul3A_66 = arith.mulf %mul3A_65, %add3A_58 : vector<512x64xf32>
    %add3A_67 = arith.addf %add3A_58, %mul3A_66 : vector<512x64xf32>
    %mul3A_68 = arith.constant 0.797884583 : f32
    %mul3A_69 = vector.broadcast %mul3A_68 : f32 to vector<512x64xf32>
    %mul3A_70 = arith.mulf %mul3A_69, %add3A_67 : vector<512x64xf32>
    %tanh3A_71 = math.tanh %mul3A_70 : vector<512x64xf32>
    %add3A_72 = arith.constant 1.000000e+00 : f32
    %add3A_73 = vector.broadcast %add3A_72 : f32 to vector<512x64xf32>
    %add3A_74 = arith.addf %add3A_73, %tanh3A_71 : vector<512x64xf32>
    %mul3A_75 = arith.mulf %mul3A_61, %add3A_74 : vector<512x64xf32>
    %dot_general3A_76 = arith.constant dense<0.000000e+00> : vector<1x512xf32>
    %dot_general3A_77 = tpu.matmul %get3A_9, %mul3A_75, %dot_general3A_76 {dimension_numbers = #tpu.dot_dimension_numbers<[1], [1], [0], [0], [0, 0, 1, 0], [], []>, transpose_lhs_hint = false} : vector<1x64xf32>, vector<512x64xf32>, vector<1x512xf32> -> vector<1x512xf32>
    %mul3A_78 = arith.mulf %convert_element_type3A_17, %dot_general3A_46 : vector<1x512xf32>
    %sub3A = arith.constant 1.000000e+00 : f32
    %sub3A_79 = vector.broadcast %sub3A : f32 to vector<1x512xf32>
    %sub3A_80 = arith.subf %convert_element_type3A_17, %sub3A_79 : vector<1x512xf32>
    %mul3A_81 = arith.constant 1.000000e+01 : f32
    %mul3A_82 = vector.broadcast %mul3A_81 : f32 to vector<1x512xf32>
    %mul3A_83 = arith.mulf %sub3A_80, %mul3A_82 : vector<1x512xf32>
    %add3A_84 = arith.addf %mul3A_78, %mul3A_83 : vector<1x512xf32>
    %reduce_max3A = vector.shape_cast %add3A_84 : vector<1x512xf32> to vector<1x1x512xf32>
    %reduce_max3A_85 = arith.constant dense<0xFF800000> : vector<1xf32>
    %reduce_max3A_86 = vector.multi_reduction <maximumf>, %reduce_max3A, %reduce_max3A_85 [1, 2] : vector<1x1x512xf32> to vector<1xf32>
    %reduce_max3A_87 = vector.shape_cast %reduce_max3A_86 : vector<1xf32> to vector<1x1x1xf32>
    %reduce_max3A_88 = vector.extract %reduce_max3A_87[0, 0, 0] : f32 from vector<1x1x1xf32>
    %sub3A_89 = vector.broadcast %reduce_max3A_88 : f32 to vector<1x512xf32>
    %sub3A_90 = arith.subf %add3A_84, %sub3A_89 : vector<1x512xf32>
    %exp3A = math.exp %sub3A_90 : vector<1x512xf32>
    %reduce_sum3A = vector.shape_cast %exp3A : vector<1x512xf32> to vector<1x1x512xf32>
    %reduce_sum3A_91 = arith.constant dense<0.000000e+00> : vector<1xf32>
    %reduce_sum3A_92 = vector.multi_reduction <add>, %reduce_sum3A, %reduce_sum3A_91 [1, 2] : vector<1x1x512xf32> to vector<1xf32>
    %reduce_sum3A_93 = vector.shape_cast %reduce_sum3A_92 : vector<1xf32> to vector<1x1x1xf32>
    %reduce_sum3A_94 = vector.extract %reduce_sum3A_93[0, 0, 0] : f32 from vector<1x1x1xf32>
    %log3A = math.log %reduce_sum3A_94 : f32
    %add3A_95 = arith.addf %reduce_max3A_88, %log3A : f32
    %sub3A_96 = vector.broadcast %add3A_95 : f32 to vector<1x512xf32>
    %sub3A_97 = arith.subf %sub3A_96, %add3A_84 : vector<1x512xf32>
    %jit3A = arith.constant -1.000000e+30 : f32
    %broadcast_in_dim3A = vector.broadcast %jit3A : f32 to vector<1x512xf32>
    %select_n3A = arith.select %gt3A_19, %dot_general3A_48, %broadcast_in_dim3A : vector<1x512xi1>, vector<1x512xf32>
    %reduce_max3A_98 = vector.shape_cast %select_n3A : vector<1x512xf32> to vector<1x1x512xf32>
    %reduce_max3A_99 = arith.constant dense<0xFF800000> : vector<1xf32>
    %reduce_max3A_100 = vector.multi_reduction <maximumf>, %reduce_max3A_98, %reduce_max3A_99 [1, 2] : vector<1x1x512xf32> to vector<1xf32>
    %reduce_max3A_101 = vector.shape_cast %reduce_max3A_100 : vector<1xf32> to vector<1x1x1xf32>
    %reduce_max3A_102 = vector.extract %reduce_max3A_101[0, 0, 0] : f32 from vector<1x1x1xf32>
    %jit3A_103 = arith.constant -1.000000e+30 : f32
    %broadcast_in_dim3A_104 = vector.broadcast %jit3A_103 : f32 to vector<1x512xf32>
    %select_n3A_105 = arith.select %gt3A_19, %dot_general3A_77, %broadcast_in_dim3A_104 : vector<1x512xi1>, vector<1x512xf32>
    %reduce_max3A_106 = vector.shape_cast %select_n3A_105 : vector<1x512xf32> to vector<1x1x512xf32>
    %reduce_max3A_107 = arith.constant dense<0xFF800000> : vector<1xf32>
    %reduce_max3A_108 = vector.multi_reduction <maximumf>, %reduce_max3A_106, %reduce_max3A_107 [1, 2] : vector<1x1x512xf32> to vector<1xf32>
    %reduce_max3A_109 = vector.shape_cast %reduce_max3A_108 : vector<1xf32> to vector<1x1x1xf32>
    %reduce_max3A_110 = vector.extract %reduce_max3A_109[0, 0, 0] : f32 from vector<1x1x1xf32>
    %add3A_111 = arith.addf %reduce_max3A_102, %reduce_max3A_110 : f32
    %max3A = arith.constant -1.000000e+01 : f32
    %max3A_112 = arith.maximumf %add3A_111, %max3A : f32
    %sub3A_113 = vector.broadcast %reduce_max3A_102 : f32 to vector<1x512xf32>
    %sub3A_114 = arith.subf %dot_general3A_48, %sub3A_113 : vector<1x512xf32>
    %exp3A_115 = math.exp %sub3A_114 : vector<1x512xf32>
    %jit3A_116 = arith.constant 0.000000e+00 : f32
    %broadcast_in_dim3A_117 = vector.broadcast %jit3A_116 : f32 to vector<1x512xf32>
    %select_n3A_118 = arith.select %gt3A_19, %exp3A_115, %broadcast_in_dim3A_117 : vector<1x512xi1>, vector<1x512xf32>
    %sub3A_119 = vector.broadcast %reduce_max3A_110 : f32 to vector<1x512xf32>
    %sub3A_120 = arith.subf %dot_general3A_77, %sub3A_119 : vector<1x512xf32>
    %exp3A_121 = math.exp %sub3A_120 : vector<1x512xf32>
    %jit3A_122 = arith.constant 0.000000e+00 : f32
    %broadcast_in_dim3A_123 = vector.broadcast %jit3A_122 : f32 to vector<1x512xf32>
    %select_n3A_124 = arith.select %gt3A_19, %exp3A_121, %broadcast_in_dim3A_123 : vector<1x512xi1>, vector<1x512xf32>
    %broadcast_in_dim3A_125 = arith.constant 0.000000e+00 : f32
    %broadcast_in_dim3A_126 = vector.broadcast %broadcast_in_dim3A_125 : f32 to vector<1x512xf32>
    %concatenate3A = tpu.concatenate %select_n3A_118, %convert_element_type3A_17, %select_n3A_124, %broadcast_in_dim3A_126, %broadcast_in_dim3A_126, %broadcast_in_dim3A_126, %broadcast_in_dim3A_126, %broadcast_in_dim3A_126 in 0 : vector<1x512xf32>, vector<1x512xf32>, vector<1x512xf32>, vector<1x512xf32>, vector<1x512xf32>, vector<1x512xf32>, vector<1x512xf32>, vector<1x512xf32> -> vector<8x512xf32>
    %transpose3A = tpu.transpose %concatenate3A, [1, 0] : vector<8x512xf32> -> vector<512x8xf32>
    %slice3A = vector.extract_strided_slice %transpose3A {offsets = [0, 0], sizes = [512, 1], strides = [1, 1]} : vector<512x8xf32> to vector<512x1xf32>
    %slice3A_127 = vector.extract_strided_slice %transpose3A {offsets = [0, 2], sizes = [512, 1], strides = [1, 1]} : vector<512x8xf32> to vector<512x1xf32>
    %iota3A = tpu.iota {dimensions = array<i32: 0>} : vector<512x512xi32>
    %iota3A_128 = tpu.iota {dimensions = array<i32: 1>} : vector<512x512xi32>
    %ge3A = arith.cmpi sge, %iota3A_128, %iota3A : vector<512x512xi32>
    %jit3A_129 = arith.constant 1.000000e+00 : f32
    %jit3A_130 = arith.constant 0.000000e+00 : f32
    %broadcast_in_dim3A_131 = vector.broadcast %jit3A_129 : f32 to vector<512x512xf32>
    %broadcast_in_dim3A_132 = vector.broadcast %jit3A_130 : f32 to vector<512x512xf32>
    %select_n3A_133 = arith.select %ge3A, %broadcast_in_dim3A_131, %broadcast_in_dim3A_132 : vector<512x512xi1>, vector<512x512xf32>
    %dot_general3A_134 = arith.constant dense<0.000000e+00> : vector<512x1xf32>
    %dot_general3A_135 = tpu.matmul %select_n3A_133, %slice3A, %dot_general3A_134 {dimension_numbers = #tpu.dot_dimension_numbers<[1], [0], [0], [1], [0, 0, 1, 1], [], []>, transpose_lhs_hint = false} : vector<512x512xf32>, vector<512x1xf32>, vector<512x1xf32> -> vector<512x1xf32>
    %mul3A_136 = arith.mulf %slice3A_127, %dot_general3A_135 : vector<512x1xf32>
    %reduce_sum3A_137 = vector.shape_cast %mul3A_136 : vector<512x1xf32> to vector<1x512x1xf32>
    %reduce_sum3A_138 = arith.constant dense<0.000000e+00> : vector<1xf32>
    %reduce_sum3A_139 = vector.multi_reduction <add>, %reduce_sum3A_137, %reduce_sum3A_138 [1, 2] : vector<1x512x1xf32> to vector<1xf32>
    %reduce_sum3A_140 = vector.shape_cast %reduce_sum3A_139 : vector<1xf32> to vector<1x1x1xf32>
    %reduce_sum3A_141 = vector.extract %reduce_sum3A_140[0, 0, 0] : f32 from vector<1x1x1xf32>
    %reduce_sum3A_142 = vector.shape_cast %convert_element_type3A_17 : vector<1x512xf32> to vector<1x1x512xf32>
    %reduce_sum3A_143 = arith.constant dense<0.000000e+00> : vector<1xf32>
    %reduce_sum3A_144 = vector.multi_reduction <add>, %reduce_sum3A_142, %reduce_sum3A_143 [1, 2] : vector<1x1x512xf32> to vector<1xf32>
    %reduce_sum3A_145 = vector.shape_cast %reduce_sum3A_144 : vector<1xf32> to vector<1x1x1xf32>
    %reduce_sum3A_146 = vector.extract %reduce_sum3A_145[0, 0, 0] : f32 from vector<1x1x1xf32>
    %mul3A_147 = arith.constant 5.000000e-01 : f32
    %mul3A_148 = arith.mulf %mul3A_147, %reduce_sum3A_146 : f32
    %add3A_149 = arith.constant 1.000000e+00 : f32
    %add3A_150 = arith.addf %reduce_sum3A_146, %add3A_149 : f32
    %mul3A_151 = arith.mulf %mul3A_148, %add3A_150 : f32
    %add3A_152 = arith.addf %reduce_max3A_102, %reduce_max3A_110 : f32
    %sub3A_153 = arith.subf %add3A_152, %max3A_112 : f32
    %exp3A_154 = math.exp %sub3A_153 : f32
    %mul3A_155 = arith.mulf %reduce_sum3A_141, %exp3A_154 : f32
    %sub3A_156 = arith.constant 2.621440e+05 : f32
    %sub3A_157 = arith.subf %sub3A_156, %mul3A_151 : f32
    %sub3A_158 = arith.constant -1.000000e+01 : f32
    %sub3A_159 = arith.subf %sub3A_158, %max3A_112 : f32
    %exp3A_160 = math.exp %sub3A_159 : f32
    %mul3A_161 = arith.mulf %sub3A_157, %exp3A_160 : f32
    %add3A_162 = arith.addf %mul3A_155, %mul3A_161 : f32
    %log3A_163 = math.log %add3A_162 : f32
    %add3A_164 = arith.addf %max3A_112, %log3A_163 : f32
    %add3A_165 = arith.constant 1.000000e+01 : f32
    %add3A_166 = arith.addf %add3A_164, %add3A_165 : f32
    %add3A_167 = vector.broadcast %add3A_166 : f32 to vector<1x512xf32>
    %add3A_168 = arith.addf %sub3A_97, %add3A_167 : vector<1x512xf32>
    %add3A_169 = arith.constant 1.000000e+01 : f32
    %add3A_170 = vector.broadcast %add3A_169 : f32 to vector<1x512xf32>
    %add3A_171 = arith.addf %dot_general3A_77, %add3A_170 : vector<1x512xf32>
    %concatenate3A_172 = tpu.concatenate %add3A_168, %add3A_171, %convert_element_type3A_17, %broadcast_in_dim3A_126, %broadcast_in_dim3A_126, %broadcast_in_dim3A_126, %broadcast_in_dim3A_126, %broadcast_in_dim3A_126, %broadcast_in_dim3A_126, %broadcast_in_dim3A_126, %broadcast_in_dim3A_126, %broadcast_in_dim3A_126, %broadcast_in_dim3A_126, %broadcast_in_dim3A_126, %broadcast_in_dim3A_126, %broadcast_in_dim3A_126 in 0 : vector<1x512xf32>, vector<1x512xf32>, vector<1x512xf32>, vector<1x512xf32>, vector<1x512xf32>, vector<1x512xf32>, vector<1x512xf32>, vector<1x512xf32>, vector<1x512xf32>, vector<1x512xf32>, vector<1x512xf32>, vector<1x512xf32>, vector<1x512xf32>, vector<1x512xf32>, vector<1x512xf32>, vector<1x512xf32> -> vector<16x512xf32>
    %transpose3A_173 = tpu.transpose %concatenate3A_172, [1, 0] : vector<16x512xf32> -> vector<512x16xf32>
    %swap3A = arith.constant 0 : index
    %swap3A_174 = arith.constant 0 : index
    %swap3A_175 = arith.constant 0 : index
    %swap3A_176 = vector.load %arg9[%swap3A, %swap3A_174, %swap3A_175] : memref<1x512x16xf32, #tpu.memory_space<vmem>>, vector<1x512x16xf32>
    %swap3A_177 = vector.shape_cast %swap3A_176 : vector<1x512x16xf32> to vector<512x16xf32>
    %swap3A_178 = vector.shape_cast %transpose3A_173 : vector<512x16xf32> to vector<1x512x16xf32>
    tpu.vector_store %arg9[%swap3A, %swap3A_174, %swap3A_175], %swap3A_178 {strides = array<i32>} : memref<1x512x16xf32, #tpu.memory_space<vmem>>, vector<1x512x16xf32>,
    %concatenate3A_179 = tpu.concatenate %dot_general3A_48, %convert_element_type3A_17 in 0 : vector<1x512xf32>, vector<1x512xf32> -> vector<2x512xf32>
    %swap3A_180 = arith.constant 0 : index
    %swap3A_181 = arith.constant 0 : index
    %swap3A_182 = arith.constant 0 : index
    %swap3A_183 = vector.load %arg10[%swap3A_180, %swap3A_181, %swap3A_182] : memref<1x2x512xf32, #tpu.memory_space<vmem>>, vector<1x2x512xf32>
    %swap3A_184 = vector.shape_cast %swap3A_183 : vector<1x2x512xf32> to vector<2x512xf32>
    %swap3A_185 = vector.shape_cast %concatenate3A_179 : vector<2x512xf32> to vector<1x2x512xf32>
    tpu.vector_store %arg10[%swap3A_180, %swap3A_181, %swap3A_182], %swap3A_185 {strides = array<i32>} : memref<1x2x512xf32, #tpu.memory_space<vmem>>, vector<1x2x512xf32>,
    return
  }
  func.func @transform_0(%arg0: i32) -> (i32, i32, i32) {
    %c0_i32 = arith.constant 0 : i32
    %c0_i32_0 = arith.constant 0 : i32
    %c0_i32_1 = arith.constant 0 : i32
    return %arg0, %c0_i32, %c0_i32_0 : i32, i32, i32
  }
  func.func @transform_1(%arg0: i32) -> (i32, i32, i32) {
    %c0_i32 = arith.constant 0 : i32
    %c0_i32_0 = arith.constant 0 : i32
    %c0_i32_1 = arith.constant 0 : i32
    return %arg0, %c0_i32, %c0_i32_0 : i32, i32, i32
  }
  func.func @transform_2(%arg0: i32) -> (i32, i32) {
    %c0_i32 = arith.constant 0 : i32
    %c0_i32_0 = arith.constant 0 : i32
    %c0_i32_1 = arith.constant 0 : i32
    return %c0_i32, %c0_i32_0 : i32, i32
  }
  func.func @transform_3(%arg0: i32) -> (i32, i32) {
    %c0_i32 = arith.constant 0 : i32
    %c0_i32_0 = arith.constant 0 : i32
    %c0_i32_1 = arith.constant 0 : i32
    return %c0_i32, %c0_i32_0 : i32, i32
  }
  func.func @transform_4(%arg0: i32) -> (i32, i32) {
    %c0_i32 = arith.constant 0 : i32
    %c0_i32_0 = arith.constant 0 : i32
    %c0_i32_1 = arith.constant 0 : i32
    return %c0_i32, %c0_i32_0 : i32, i32
  }
  func.func @transform_5(%arg0: i32) -> (i32, i32) {
    %c0_i32 = arith.constant 0 : i32
    %c0_i32_0 = arith.constant 0 : i32
    %c0_i32_1 = arith.constant 0 : i32
    return %c0_i32, %c0_i32_0 : i32, i32
  }
  func.func @transform_6(%arg0: i32) -> (i32, i32) {
    %c0_i32 = arith.constant 0 : i32
    %c0_i32_0 = arith.constant 0 : i32
    %c0_i32_1 = arith.constant 0 : i32
    return %c0_i32, %c0_i32_0 : i32, i32
  }
  func.func @transform_7(%arg0: i32) -> (i32, i32) {
    %c0_i32 = arith.constant 0 : i32
    %c0_i32_0 = arith.constant 0 : i32
    %c0_i32_1 = arith.constant 0 : i32
    return %c0_i32, %c0_i32_0 : i32, i32
  }
  func.func @transform_8(%arg0: i32) -> (i32, i32, i32) {
    %c0_i32 = arith.constant 0 : i32
    %c0_i32_0 = arith.constant 0 : i32
    %c0_i32_1 = arith.constant 0 : i32
    return %arg0, %c0_i32, %c0_i32_0 : i32, i32, i32
  }
  func.func @transform_9(%arg0: i32) -> (i32, i32, i32) {
    %c0_i32 = arith.constant 0 : i32
    %c0_i32_0 = arith.constant 0 : i32
    %c0_i32_1 = arith.constant 0 : i32
    return %arg0, %c0_i32, %c0_i32_0 : i32, i32, i32
  }
}

</mosaic_0001>

<sc_bundles>
// kernel: kernel.4.cloned.1.call-start
scs
__scs_entry_jumppad:
0x0: {  	(pc) =	sbr.rel $0x88, $3  }
0x1: {  	(tag) =	ssettag $0x0;
	lr =	simm.s32 $0x1  }
0x2: {  	[smem:$0x3F99] =	sst lr;
	_ =	strace $0xD0000000  }
0x3: {  	_ = 	snop  }
0x4: {  	_ = 	snop  }
0x5: {  	_ = 	snop  }
0x6: {  	_ = 	snop  }
0x7: {  	_ = 	snop  }
__scs_overlays_trampoline_lowered:
0x8: {  	[smem:$0x3FA8] =	sst s0  }
0x9: {  	[smem:$0x3FA9] =	sst s1  }
0xa: {  	[smem:$0x3FAA] =	sst s2  }
0xb: {  	[smem:$0x3FAB] =	sst s3  }
0xc: {  	[smem:$0x3FAC] =	sst s4  }
0xd: {  	[smem:$0x3FAD] =	sst s5  }
0xe: {  	[smem:$0x3FAE] =	sst s6  }
0xf: {  	[smem:$0x3FAF] =	sst s7  }
0x10: {  	[smem:$0x3FB0] =	sst s8  }
0x11: {  	[smem:$0x3FB1] =	sst s9;
	s0 =	simm.s32 @!p0 $0x0  }
0x12: {  	s1 =	sld [smem:$0x3F97];
	s0 =	simm.s32 @p0 $0x1  }
0x13: {  	[smem:$0x3FB2] =	sst s0;
	s0 =	simm.s32 @!p1 $0x0  }
0x14: {  	s2 =	sld [smem:$0x3F96];
	s0 =	simm.s32 @p1 $0x1  }
0x15: {  	[smem:$0x3FB3] =	sst s0;
	s0 =	simm.s32 @!p2 $0x0  }
0x16: {  	s3 =	sld [smem:$0x3FDB];
	s0 =	simm.s32 @p2 $0x1  }
0x17: {  	s4 =	simm.s32 $0x1BF5;
	[smem:$0x3FB5] =	sst s0  }
0x18: {  	s0 =	sld [smem:$0x3F98];
	_ =	swait.ge [sflag:s4], $0x0  }
0x19: {  	s7 =	sld [smem:$0x3F99]  }
0x1a: {  	s8 =	sadd.s32 $0xFFFFE003, lr  }
0x1b: {  	s9 =	sadd.s32 $0xFFFFFEF7, lr;
	s5 =	simm.s32 $0xFFFFFFFF;
	p2 =	slt.u32 s8, $0xFFFFF086  }
0x1c: {  	p1 =	slt.u32 s9, $0xF7A;
	s5 =	simm.s32 @!p2 $0x0  }
0x1d: {  	s5 =	simm.s32 @p1 $0x1;
	p0 =	seq.s32 s7, s2  }
0x1e: {  	s7 =	smul.u32 @!p0 $0xF7A, s2;
	p2 =	seq.s32 @!p0 s5, $0x0  }
0x1f: {  	s9 =	smul.u32 $0xF7A, s1;
	s8 =	simm.s32 @!p0 $0x1BF5;
	p2 =	por !p2, p0  }
0x20: {  	[sflag:s8] =	ssyncset.s32 @!p0 $0xFFFFF086;
	s6 =	sadd.s32 @!p0 s3, s7;
	s7 =	simm.s32 @!p0 $0x108  }
0x21: {  	s3 =	sadd.s32 s3, s9;
	s6 =	sadd.s32 @!p0 $0x88, s6;
	s7 =	simm.s32 @p2 $0x1082  }
0x22: {  	[simem:s7], [sflag:s8] =	dma.local @!p0 [hbm:s6], $0xF7A  }
0x23: {  	s9 =	sor.u32 $0xD0000000, s2;
	s6 =	simm.s32 $0x108;
	_ =	swait.ge @!p0 [sflag:s8], $0x0  }
0x24: {  	s3 =	sadd.s32 $0x88, s3;
	s6 =	simm.s32 @!p1 $0x1082;
	[sflag:s4] =	ssyncset.s32 $0xFFFFF086  }
0x25: {  	[simem:s6], [sflag:s4] =	dma.local [hbm:s3], $0xF7A  }
0x26: {  	[smem:$0x3F99] =	sst s1;
	(tag) =	ssettag s2;
	_ =	strace s9  }
0x27: {  	s1 =	sld [smem:$0x3FA9]  }
0x28: {  	s2 =	sld [smem:$0x3FAA]  }
0x29: {  	s4 =	sld [smem:$0x3FAC]  }
0x2a: {  	p0 =	seq.s32 s5, $0x0;
	s5 =	sld [smem:$0x3FAD]  }
0x2b: {  	s6 =	sld [smem:$0x3FAE]  }
0x2c: {  	s7 =	sld [smem:$0x3FAF]  }
0x2d: {  	s3 =	simm.s32 $0x108;
	s8 =	sld [smem:$0x3FB0]  }
0x2e: {  	s3 =	simm.s32 @!p0 $0x1082;
	s9 =	sld [smem:$0x3FB1]  }
0x2f: {  	lr =	sadd.s32 s0, s3;
	s0 =	sld [smem:$0x3FA8]  }
0x30: {  	s3 =	sld [smem:$0x3FAB]  }
0x31: {  	[smem:$0x3FB4] =	sst s10  }
0x32: {  	s10 =	sld [smem:$0x3FB2];
	_ =	sdelay $0x3  }
0x33: {  	p0 =	seq.s32 s10, $0x1;
	s10 =	sld [smem:$0x3FB4];
	_ =	sdelay $0x3  }
0x34: {  	[smem:$0x3FB4] =	sst s10  }
0x35: {  	s10 =	sld [smem:$0x3FB3];
	_ =	sdelay $0x3  }
0x36: {  	p1 =	seq.s32 s10, $0x1;
	s10 =	sld [smem:$0x3FB4];
	_ =	sdelay $0x3  }
0x37: {  	[smem:$0x3FB4] =	sst s10  }
0x38: {  	s10 =	sld [smem:$0x3FB5]  }
0x39: {  	_ = 	snop;
	(pc) =	sbr.ind lr, $3  }
0x3a: {  	_ = 	snop  }
0x3b: {  	_ = 	snop  }
0x3c: {  	p2 =	seq.s32 s10, $0x1;
	s10 =	sld [smem:$0x3FB4]  }
0x3d: {  	_ =	shalt  }
0x3e: {  	_ =	shalt  }
0x3f: {  	_ =	shalt  }
0x40: {  	_ =	shalt  }
0x41: {  	_ =	shalt  }
0x42: {  	_ =	shalt  }
0x43: {  	_ =	shalt  }
0x44: {  	_ =	shalt  }
0x45: {  	_ =	shalt  }
0x46: {  	_ =	shalt  }
0x47: {  	_ =	shalt  }
0x48: {  	_ =	shalt  }
0x49: {  	_ =	shalt  }
0x4a: {  	_ =	shalt  }
0x4b: {  	_ =	shalt  }
0x4c: {  	_ =	shalt  }
0x4d: {  	_ =	shalt  }
0x4e: {  	_ =	shalt  }
0x4f: {  	_ =	shalt  }
0x50: {  	_ =	shalt  }
0x51: {  	_ =	shalt  }
0x52: {  	_ =	shalt  }
0x53: {  	_ =	shalt  }
0x54: {  	_ =	shalt  }
0x55: {  	_ =	shalt  }
0x56: {  	_ =	shalt  }
0x57: {  	_ =	shalt  }
0x58: {  	_ =	shalt  }
0x59: {  	_ =	shalt  }
0x5a: {  	_ =	shalt  }
0x5b: {  	_ =	shalt  }
0x5c: {  	_ =	shalt  }
0x5d: {  	_ =	shalt  }
0x5e: {  	_ =	shalt  }
0x5f: {  	_ =	shalt  }
0x60: {  	_ =	shalt  }
0x61: {  	_ =	shalt  }
0x62: {  	_ =	shalt  }
0x63: {  	_ =	shalt  }
0x64: {  	_ =	shalt  }
0x65: {  	_ =	shalt  }
0x66: {  	_ =	shalt  }
0x67: {  	_ =	shalt  }
0x68: {  	_ =	shalt  }
0x69: {  	_ =	shalt  }
0x6a: {  	_ =	shalt  }
0x6b: {  	_ =	shalt  }
0x6c: {  	_ =	shalt  }
0x6d: {  	_ =	shalt  }
0x6e: {  	_ =	shalt  }
0x6f: {  	_ =	shalt  }
0x70: {  	_ =	shalt  }
0x71: {  	_ =	shalt  }
0x72: {  	_ =	shalt  }
0x73: {  	_ =	shalt  }
0x74: {  	_ =	shalt  }
0x75: {  	_ =	shalt  }
0x76: {  	_ =	shalt  }
0x77: {  	_ =	shalt  }
0x78: {  	_ =	shalt  }
0x79: {  	_ =	shalt  }
0x7a: {  	_ =	shalt  }
0x7b: {  	_ =	shalt  }
0x7c: {  	_ =	shalt  }
0x7d: {  	_ =	shalt  }
0x7e: {  	_ =	shalt  }
0x7f: {  	_ =	shalt  }
0x80: {  	_ =	shalt  }
0x81: {  	_ =	shalt  }
0x82: {  	_ =	shalt  }
0x83: {  	_ =	shalt  }
0x84: {  	_ =	shalt  }
0x85: {  	_ =	shalt  }
0x86: {  	_ =	shalt  }
0x87: {  	_ =	shalt  }
.Lfunc_end0:
.L_simem_size_0:
called_computation_lowered:
.L_overlay_start_0:
0x88: {  	s2 =	sld [smem:$0x3FD9]  }
0x89: {  	s3 =	sld [smem:$0x3FFE];
	_ =	sdelay $0x1  }
0x8a: {  	s1 =	srdreg.scid  }
0x8b: {  	s0 =	sand.u32 $0x1, s1  }
0x8c: {  	s17 =	sshll.u32 s0, $0xA;
	s2 =	sadd.s32 s3, s2  }
0x8d: {  	s2 =	sadd.s32 s2, s17  }
0x8e: {  	[smem:$0x3FC0] =	sst s2  }
0x8f: {  	_ = 	snop  }
0x90: {  	s2 =	sld [smem:$0x3FD0];
	(tm) =	ssettm $0x1  }
0x91: {  	s18 =	sld [smem:$0x3FFB];
	_ =	sdelay $0x3  }
0x92: {  	_ =	strace s18  }
0x93: {  	s3 =	sld [smem:$0x3FFC];
	_ =	sdelay $0x3  }
0x94: {  	_ =	strace s3  }
0x95: {  	s3 =	sld [smem:$0x3FFD];
	_ =	sdelay $0x3  }
0x96: {  	_ =	strace s3  }
0x97: {  	_ =	strace $0x8FFFFFFF  }
0x98: {  	s19 =	sld [smem:$0x3FDB];
	_ =	sdelay $0x1  }
0x99: {  	s4 =	simm.s32 $_scs_section_size  }
0x9a: {  	s5 =	simm.s32 $_size__tile_overlayer_lowered;
	s6 =	simm.s32 $_tile_overlayer_lowered  }
0x9b: {  	s22 =	simm.s32 $0x1BFF;
	s21 =	sshll.u32 s6, $0x1;
	s3 =	sadd.s32 s4, s19  }
0x9c: {  	s7 =	simm.s32 $0x0;
	s20 =	sshll.u32 s5, $0x1;
	s5 =	sadd.s32 s21, s3  }
0x9d: {  	[timem:s7], [sflag:s22] =	dma.local [hbm:s5], s20  }
0x9e: {  	_ =	swait.ge [sflag:s22], s20  }
0x9f: {  	s4 =	ssub.s32 $0x0, s20;
	[sflag:s22] =	ssyncset.done $0x0  }
0xa0: {  	[sflag:s22] =	ssyncadd.s32 s4;
	_ =	sdelay $0x1  }
0xa1: {  	s23 =	simm.s32 $0x1B8B  }
0xa2: {  	_ =	swait.ge [sflag:s23], $0x1  }
0xa3: {  	[sflag:s23] =	ssyncset.done $0x0  }
0xa4: {  	s25 =	simm.s32 $0x1B8E;
	s24 =	sld [smem:$0x3FFE];
	[sflag:s23] =	ssyncadd.s32 $0xFFFFFFFF  }
0xa5: {  	s26 =	simm.s32 $execute0_lowered;
	[smem:$0x3FD2] =	sst s25  }
0xa6: {  	s5 =	sshll.u32 s26, $0x1;
	_ =	strace $0x80000046;
	[dreg:$0x1] =	wrdreg $0xFFFFFFFF  }
0xa7: {  	s28 =	simm.s32 $_size_execute0_lowered;
	s3 =	sadd.s32 s3, s5;
	[dreg:$0x0] =	wrdreg $0x0  }
0xa8: {  	s5 =	sshll.u32 s28, $0x1;
	[dreg:$0x2] =	wrdreg s3  }
0xa9: {  	[dreg:$0x3] =	wrdreg s5  }
0xaa: {  	[dreg:$0x4] =	wrdreg $0xC0  }
0xab: {  	_ =	task [dreg:s7], $0x5FFFF  }
0xac: {  	[dreg:$0x1] =	wrdreg $0xFFFFFFFF  }
0xad: {  	[dreg:$0x0] =	wrdreg $0x60  }
0xae: {  	[dreg:$0x2] =	wrdreg s24  }
0xaf: {  	[dreg:$0x3] =	wrdreg s2  }
0xb0: {  	[dreg:$0x4] =	wrdreg $0x9  }
0xb1: {  	_ =	task.clear_ibuf [dreg:s7], $0x5FFFF;
	_ =	strace $0x90000046  }
0xb2: {  	s29 =	simm.s32 $0x9;
	_ =	strace $0x80000048  }
0xb3: {  	_ =	swait.ge [sflag:s29], $0x1  }
0xb4: {  	[sflag:s29] =	ssyncadd.s32 $0xFFFFFFFF  }
0xb5: {  	_ =	strace $0x90000048  }
0xb6: {  	_ =	sfence  }
0xb7: {  	s30 =	sld [smem:$0x0];
	_ =	sdelay $0x2  }
0xb8: {  	s31 =	sshll.u32 s1, $0xD;
	s1 =	sshrl.u32 s1, $0x2  }
0xb9: {  	s3 =	sand.u32 $0x4000, s31;
	s1 =	sadd.s32 s1, s30  }
0xba: {  	s0 =	sor.u32 s3, s0;
	s1 =	sshll.u32 s1, $0x11  }
0xbb: {  	s0 =	sor.u32 s1, s0  }
0xbc: {  	s0 =	sadd.s32 $0x8F2B, s0  }
0xbd: {  	[sflag:s0] =	ssyncadd.remote.s32 $0x1  }
0xbe: {  	_ =	sfence.sel $0xFFFF  }
0xbf: {  	[dreg:$0x0] =	wrdreg $0xFFFFFFFF;
	(pc) =	sbr.abs _section_cstart, $3  }
0xc0: {  	[dreg:$0x1] =	wrdreg $0xFFFFFFFF  }
0xc1: {  	_ =	task.clear_ibuf [dreg:s7], $0x2FFFF;
	_ =	strace $0x9FFFFFFF  }
0xc2: {  	(tm) =	ssettm $0x7FFFFFFF  }
0xc3: {  	_ =	shalt  }
tec
execute0_lowered:
.L_overlay_start_1:
0x0: {  	(tag) =	ssettag $0x1  }
0x1: {  	s3 =	rddreg [dreg:$0x0];
	v31 =	vlaneseq.u32  }
0x2: {  	s5 =	rddreg [dreg:$0x1];
	v0 =	vadd.s32 $0x1, v31;
	v1 =	vadd.s32 $0x11, v31  }
0x3: {  	s0 =	rddreg [dreg:$0x2];
	v2 =	vadd.s32 $0x21, v31;
	v3 =	vadd.s32 $0x31, v31;
	v4 =	vadd.s32 $0x41, v31  }
0x4: {  	s4 =	srdreg.scid;
	s2 =	simm.s32 $0x0;
	s1 =	stileid.u32;
	v5 =	vadd.s32 $0x51, v31;
	v6 =	vadd.s32 $0x61, v31;
	v7 =	vadd.s32 $0x71, v31  }
0x5: {  	s11 =	simm.s32 $0x0;
	s4 =	sand.u32 $0x1, s4;
	[smem:$0x7FF] =	sst s2;
	v8 =	vadd.s32 $0x81, v31;
	v9 =	vadd.s32 $0x91, v31;
	v10 =	vadd.s32 $0xA1, v31  }
0x6: {  	s6 =	sshll.u32 s1, $0x7;
	v11 =	vadd.s32 $0xB1, v31;
	v12 =	vadd.s32 $0xC1, v31;
	v13 =	vadd.s32 $0xD1, v31;
	s8 =	sshll.u32 s1, $0x5;
	s7 =	sshll.u32 s4, $0x6  }
0x7: {  	v14 =	vadd.s32 $0xE1, v31;
	v15 =	vadd.s32 $0xF1, v31;
	v16 =	vadd.s32 $0x101, v31;
	_ =	strace $0x80000047;
	s4 =	ssub.s32 $0x2, s4;
	s8 =	sand.u32 $0x180, s8  }
0x8: {  	v17 =	vadd.s32 $0x111, v31;
	v18 =	vadd.s32 $0x121, v31;
	v19 =	vadd.s32 $0x131, v31;
	s7 =	sor.u32 s7, s6;
	s9 =	sshrl.u32 s4, $0x1;
	s8 =	sadd.s32 s8, s3  }
0x9: {  	v20 =	vadd.s32 $0x141, v31;
	v21 =	vadd.s32 $0x151, v31;
	v22 =	vadd.s32 $0x161, v31;
	s6 =	sshll.u32 s7, $0x4;
	s9 =	ssub.s32 s4, s9;
	s10 =	sshll.u32 s7, $0x6  }
0xa: {  	v23 =	vadd.s32 $0x171, v31;
	v24 =	vadd.s32 $0x181, v31;
	v25 =	vadd.s32 $0x191, v31;
	s4 =	sadd.s32 $0x9600, s8;
	s7 =	sand.u32 $0x1C0, s7;
	s8 =	simm.s32 $0x8400  }
0xb: {  	v26 =	vadd.s32 $0x1A1, v31;
	v27 =	vadd.s32 $0x1B1, v31;
	v28 =	vadd.s32 $0x1C1, v31;
	s6 =	sadd.s32 s6, s3;
	s5 =	sadd.s32 s5, s10;
	s10 =	simm.s32 $0x8000  }
0xc: {  	v29 =	vadd.s32 $0x1D1, v31;
	v30 =	vadd.s32 $0x1E1, v31;
	v31 =	vadd.s32 $0x1F1, v31;
	s3 =	sadd.s32 $0x1600, s6;
	s6 =	smax.u32 s9, $0x1;
	s9 =	simm.s32 $0x1  }
.LBB2_1:
0xd: {  	[tilespmem:s8], [sflag:$0x1] =	stream.linear.gather [hbm4b:s3+s2], $0x2000, $0x38;
	[tilespmem:$0xA600] =	vst v63  }
0xe: {  	_ =	swait.ge [sflag:s9], $0x2000  }
0xf: {  	[sflag:s9] =	ssyncset.done $0x0  }
0x10: {  	[sflag:s9] =	ssyncadd.s32 $0xFFFFE000  }
0x11: {  	[tilespmem:s10], [sflag:$0x1] =	stream.linear.gather [hbm4b:s4+s2], $0x400, $0x38;
	[tilespmem:$0xA600] =	vst v63  }
0x12: {  	_ =	swait.ge [sflag:s9], $0x400  }
0x13: {  	[sflag:s9] =	ssyncset.done $0x0  }
0x14: {  	[sflag:s9] =	ssyncadd.s32 $0xFFFFFC00  }
0x15: {  	v32 =	vld [tilespmem:$0x8000]  }
0x16: {  	v33 =	vld [tilespmem:$0x8080]  }
0x17: {  	v34 =	vld [tilespmem:$0x8010]  }
0x18: {  	v35 =	vld [tilespmem:$0x8090]  }
0x19: {  	v36 =	vld [tilespmem:$0x8020]  }
0x1a: {  	v37 =	vld [tilespmem:$0x80A0]  }
0x1b: {  	v38 =	vld [tilespmem:$0x8030]  }
0x1c: {  	v39 =	vld [tilespmem:$0x80B0]  }
0x1d: {  	v40 =	vld [tilespmem:$0x8040]  }
0x1e: {  	v41 =	vld [tilespmem:$0x80C0]  }
0x1f: {  	v42 =	vld [tilespmem:$0x8050]  }
0x20: {  	v43 =	vld [tilespmem:$0x80D0]  }
0x21: {  	v44 =	vld [tilespmem:$0x8060]  }
0x22: {  	v45 =	vld [tilespmem:$0x80E0]  }
0x23: {  	v46 =	vld [tilespmem:$0x8070]  }
0x24: {  	v47 =	vld [tilespmem:$0x80F0]  }
0x25: {  	v48 =	vld [tilespmem:$0x8100]  }
0x26: {  	v49 =	vld [tilespmem:$0x8180]  }
0x27: {  	v50 =	vld [tilespmem:$0x8110]  }
0x28: {  	v51 =	vld [tilespmem:$0x8190]  }
0x29: {  	v52 =	vld [tilespmem:$0x8120]  }
0x2a: {  	v53 =	vld [tilespmem:$0x81A0]  }
0x2b: {  	v54 =	vld [tilespmem:$0x8130]  }
0x2c: {  	v55 =	vld [tilespmem:$0x81B0]  }
0x2d: {  	v56 =	vld [tilespmem:$0x8140]  }
0x2e: {  	v57 =	vld [tilespmem:$0x81C0]  }
0x2f: {  	v58 =	vld [tilespmem:$0x8150]  }
0x30: {  	v62 =	vld [tilespmem:$0x8170]  }
0x31: {  	v59 =	vld [tilespmem:$0x81D0]  }
0x32: {  	v60 =	vld [tilespmem:$0x8160]  }
0x33: {  	v61 =	vld [tilespmem:$0x81E0]  }
0x34: {  	v63 =	vld [tilespmem:$0x81F0]  }
0x35: {  	[tilespmem:$0x1FFA0] =	vst v62;
	v62 =	vld [tilespmem:$0x8200]  }
0x36: {  	v32 =	vmul.f32 v33, v32;
	v33 =	vld [tilespmem:$0x82A0]  }
0x37: {  	v34 =	vmul.f32 v35, v34;
	v35 =	vld [tilespmem:$0x8230]  }
0x38: {  	v45 =	vmul.f32 v45, v44;
	v44 =	vld [tilespmem:$0x82F0]  }
0x39: {  	v47 =	vmul.f32 v47, v46;
	v46 =	vld [tilespmem:$0x8380]  }
0x3a: {  	v49 =	vmul.f32 v49, v48;
	v48 =	vld [tilespmem:$0x8390]  }
0x3b: {  	v51 =	vmul.f32 v51, v50;
	v50 =	vld [tilespmem:$0x83A0]  }
0x3c: {  	v53 =	vmul.f32 v53, v52;
	v52 =	vld [tilespmem:$0x1FFA0]  }
0x3d: {  	[tilespmem:$0x1FFB0] =	vst v62;
	v62 =	vld [tilespmem:$0x8280]  }
0x3e: {  	[tilespmem:$0xA400] =	vst v32;
	v32 =	vmul.f32 v37, v36;
	v36 =	vld [tilespmem:$0x82B0]  }
0x3f: {  	[tilespmem:$0xA410] =	vst v34;
	v37 =	vld [tilespmem:$0x8240]  }
0x40: {  	[tilespmem:$0xA460] =	vst v45;
	v45 =	vld [tilespmem:$0x8300]  }
0x41: {  	[tilespmem:$0xA470] =	vst v47;
	v47 =	vld [tilespmem:$0x8310]  }
0x42: {  	[tilespmem:$0x1FFC0] =	vst v62;
	v62 =	vld [tilespmem:$0x8210]  }
0x43: {  	[tilespmem:$0xA480] =	vst v49;
	v49 =	vld [tilespmem:$0x8320]  }
0x44: {  	[tilespmem:$0xA490] =	vst v51;
	v51 =	vld [tilespmem:$0x8330]  }
0x45: {  	[tilespmem:$0xA420] =	vst v32;
	v32 =	vmul.f32 v41, v40;
	v40 =	vld [tilespmem:$0x82D0]  }
0x46: {  	v55 =	vmul.f32 v55, v54;
	[tilespmem:$0xA4A0] =	vst v53;
	v41 =	vld [tilespmem:$0x8260]  }
0x47: {  	v57 =	vmul.f32 v57, v56;
	[tilespmem:$0x1FFD0] =	vst v62;
	v62 =	vld [tilespmem:$0x8290]  }
0x48: {  	v59 =	vmul.f32 v59, v58;
	[tilespmem:$0xA4B0] =	vst v55;
	v53 =	vld [tilespmem:$0x1FFB0]  }
0x49: {  	[tilespmem:$0xA4C0] =	vst v57;
	v54 =	vld [tilespmem:$0x1FFC0]  }
0x4a: {  	[tilespmem:$0xA4D0] =	vst v59;
	v34 =	vmul.f32 v63, v52;
	v63 =	vld [tilespmem:$0x83D0]  }
0x4b: {  	[tilespmem:$0xA440] =	vst v32;
	v58 =	vmul.f32 v36, v35;
	v55 =	vld [tilespmem:$0x1FFD0]  }
0x4c: {  	[tilespmem:$0x1FFE0] =	vst v62;
	v62 =	vld [tilespmem:$0x8220]  }
0x4d: {  	[tilespmem:$0xA530] =	vst v58;
	v58 =	vmul.f32 v50, v49;
	v56 =	vld [tilespmem:$0x1FFE0]  }
0x4e: {  	v35 =	vld [tilespmem:$0x8340];
	[tilespmem:$0xA4F0] =	vst v34;
	v32 =	vmul.f32 v54, v53  }
0x4f: {  	v36 =	vld [tilespmem:$0x83C0];
	[tilespmem:$0xA5A0] =	vst v58  }
0x50: {  	v53 =	vld [tilespmem:$0x8360];
	v54 =	vmul.f32 v46, v45;
	[tilespmem:$0xA500] =	vst v32  }
0x51: {  	[tilespmem:$0x1FFF0] =	vst v62;
	v62 =	vmul.f32 v39, v38;
	v38 =	vld [tilespmem:$0x82C0]  }
0x52: {  	[tilespmem:$0xA580] =	vst v54;
	v39 =	vld [tilespmem:$0x8250];
	v34 =	vmul.f32 v56, v55  }
0x53: {  	v57 =	vld [tilespmem:$0x1FFF0];
	[tilespmem:$0xA430] =	vst v62;
	v62 =	vmul.f32 v43, v42  }
0x54: {  	v56 =	vmul.f32 v48, v47;
	v42 =	vld [tilespmem:$0x82E0];
	[tilespmem:$0xA510] =	vst v34  }
0x55: {  	v43 =	vld [tilespmem:$0x8270];
	[tilespmem:$0xA450] =	vst v62;
	v62 =	vmul.f32 v61, v60  }
0x56: {  	v55 =	vld [tilespmem:$0x83E0];
	[tilespmem:$0xA590] =	vst v56;
	v59 =	vmul.f32 v38, v37  }
0x57: {  	v61 =	vld [tilespmem:$0x8350];
	v60 =	vmul.f32 v40, v39;
	[tilespmem:$0xA4E0] =	vst v62  }
0x58: {  	v32 =	vmul.f32 v33, v57;
	v33 =	vld [tilespmem:$0x83B0];
	[tilespmem:$0xA540] =	vst v59  }
0x59: {  	v57 =	vld [tilespmem:$0x8370];
	v62 =	vmul.f32 v42, v41;
	[tilespmem:$0xA550] =	vst v60  }
0x5a: {  	v52 =	vmul.f32 v44, v43;
	v59 =	vld [tilespmem:$0x83F0];
	[tilespmem:$0xA520] =	vst v32  }
0x5b: {  	v60 =	vmul.f32 v36, v35;
	[tilespmem:$0xA560] =	vst v62  }
0x5c: {  	[tilespmem:$0xA570] =	vst v52;
	v61 =	vmul.f32 v63, v61  }
0x5d: {  	[tilespmem:$0xA5C0] =	vst v60;
	v62 =	vmul.f32 v55, v53  }
0x5e: {  	v33 =	vmul.f32 v33, v51;
	[tilespmem:$0xA5D0] =	vst v61  }
0x5f: {  	[tilespmem:$0xA5E0] =	vst v62;
	v63 =	vmul.f32 v59, v57  }
0x60: {  	[tilespmem:$0xA5B0] =	vst v33  }
0x61: {  	s12 =	smov.u32 s7;
	s13 =	simm.s32 $0x0;
	s14 =	simm.s32 $0x0;
	[tilespmem:$0xA5F0] =	vst v63  }
.LBB2_2:
0x62: {  	s15 =	sshra.s32 s14, $0x2  }
0x63: {  	v34 =	vld [tilespmem:s15+$0x8400];
	_ =	sdelay $0x4  }
0x64: {  	(v2sf) =	vpush v34, $0x2  }
0x65: {  	(v2sf) =	vpush v34, $0x1;
	_ =	sdelay $0xb  }
0x66: {  	v33 =	vld [tilespmem:$0xA400]  }
0x67: {  	v35 =	vld [tilespmem:$0x8080]  }
0x68: {  	s30 =	spop (v2sf)  }
0x69: {  	s16 =	spop (v2sf)  }
0x6a: {  	v32 =	vbroadcast v34, $0x2;
	s15 =	smul.f32 s16, s30;
	_ =	sdelay $0x1  }
0x6b: {  	v33 =	vmul.f32 v33, v32;
	v35 =	vmul.f32 s15, v35;
	_ =	sdelay $0x1  }
0x6c: {  	v35 =	vadd.f32 v35, v33;
	v33 =	vmov s12  }
0x6d: {  	v34 =	vbroadcast v34, $0x0;
	vm0 =	vlt.u32 v33, v0  }
0x6e: {  	v35 =	vnsel vm0, $0x0, v35  }
0x6f: {  	s31 =	sand.u32 $0x7000, s14;
	s17 =	sand.u32 $0x380, s13;
	v35 =	vsub.f32 v34, v35  }
0x70: {  	s16 =	sor.u32 s17, s31  }
0x71: {  	[tilespmem:s16+$0x0] =	vst v35  }
0x72: {  	v35 =	vld [tilespmem:$0xA410]  }
0x73: {  	v36 =	vld [tilespmem:$0x8090];
	_ =	sdelay $0x4  }
0x74: {  	v36 =	vmul.f32 s15, v36;
	v35 =	vmul.f32 v35, v32;
	_ =	sdelay $0x1  }
0x75: {  	v35 =	vadd.f32 v36, v35  }
0x76: {  	vm9 =	vlt.u32 v33, v1  }
0x77: {  	v35 =	vnsel vm9, $0x0, v35  }
0x78: {  	v35 =	vsub.f32 v34, v35;
	_ =	sdelay $0x1  }
0x79: {  	[tilespmem:s16+$0x10] =	vst v35  }
0x7a: {  	v35 =	vld [tilespmem:$0xA420]  }
0x7b: {  	v58 =	vld [tilespmem:$0x80A0];
	_ =	sdelay $0x4  }
0x7c: {  	v36 =	vmul.f32 s15, v58;
	v35 =	vmul.f32 v35, v32;
	_ =	sdelay $0x1  }
0x7d: {  	v35 =	vadd.f32 v36, v35  }
0x7e: {  	vm10 =	vlt.u32 v33, v2  }
0x7f: {  	v35 =	vnsel vm10, $0x0, v35  }
0x80: {  	v35 =	vsub.f32 v34, v35;
	_ =	sdelay $0x1  }
0x81: {  	[tilespmem:s16+$0x20] =	vst v35  }
0x82: {  	v35 =	vld [tilespmem:$0xA430]  }
0x83: {  	v59 =	vld [tilespmem:$0x80B0];
	_ =	sdelay $0x4  }
0x84: {  	v36 =	vmul.f32 s15, v59;
	v35 =	vmul.f32 v35, v32;
	_ =	sdelay $0x1  }
0x85: {  	v35 =	vadd.f32 v36, v35  }
0x86: {  	vm11 =	vlt.u32 v33, v3  }
0x87: {  	v35 =	vnsel vm11, $0x0, v35  }
0x88: {  	v35 =	vsub.f32 v34, v35;
	_ =	sdelay $0x1  }
0x89: {  	[tilespmem:s16+$0x30] =	vst v35  }
0x8a: {  	v35 =	vld [tilespmem:$0xA440]  }
0x8b: {  	v60 =	vld [tilespmem:$0x80C0];
	_ =	sdelay $0x4  }
0x8c: {  	v36 =	vmul.f32 s15, v60;
	v35 =	vmul.f32 v35, v32;
	_ =	sdelay $0x1  }
0x8d: {  	v35 =	vadd.f32 v36, v35  }
0x8e: {  	vm12 =	vlt.u32 v33, v4  }
0x8f: {  	v35 =	vnsel vm12, $0x0, v35  }
0x90: {  	v35 =	vsub.f32 v34, v35;
	_ =	sdelay $0x1  }
0x91: {  	[tilespmem:s16+$0x40] =	vst v35  }
0x92: {  	v35 =	vld [tilespmem:$0xA450]  }
0x93: {  	v61 =	vld [tilespmem:$0x80D0];
	_ =	sdelay $0x4  }
0x94: {  	v36 =	vmul.f32 s15, v61;
	v35 =	vmul.f32 v35, v32;
	_ =	sdelay $0x1  }
0x95: {  	v35 =	vadd.f32 v36, v35  }
0x96: {  	vm13 =	vlt.u32 v33, v5  }
0x97: {  	v35 =	vnsel vm13, $0x0, v35  }
0x98: {  	v35 =	vsub.f32 v34, v35;
	_ =	sdelay $0x1  }
0x99: {  	[tilespmem:s16+$0x50] =	vst v35  }
0x9a: {  	v35 =	vld [tilespmem:$0xA460]  }
0x9b: {  	v62 =	vld [tilespmem:$0x80E0];
	_ =	sdelay $0x4  }
0x9c: {  	v36 =	vmul.f32 s15, v62;
	v35 =	vmul.f32 v35, v32;
	_ =	sdelay $0x1  }
0x9d: {  	v35 =	vadd.f32 v36, v35  }
0x9e: {  	vm14 =	vlt.u32 v33, v6  }
0x9f: {  	v35 =	vnsel vm14, $0x0, v35  }
0xa0: {  	v35 =	vsub.f32 v34, v35;
	_ =	sdelay $0x1  }
0xa1: {  	[tilespmem:s16+$0x60] =	vst v35  }
0xa2: {  	v35 =	vld [tilespmem:$0xA470]  }
0xa3: {  	v63 =	vld [tilespmem:$0x80F0];
	_ =	sdelay $0x4  }
0xa4: {  	v36 =	vmul.f32 s15, v63;
	v35 =	vmul.f32 v35, v32;
	_ =	sdelay $0x1  }
0xa5: {  	v35 =	vadd.f32 v36, v35  }
0xa6: {  	vm15 =	vlt.u32 v33, v7  }
0xa7: {  	v35 =	vnsel vm15, $0x0, v35  }
0xa8: {  	v35 =	vsub.f32 v34, v35;
	_ =	sdelay $0x1  }
0xa9: {  	[tilespmem:s16+$0x70] =	vst v35  }
0xaa: {  	v35 =	vld [tilespmem:$0xA480]  }
0xab: {  	v40 =	vld [tilespmem:$0x8180];
	_ =	sdelay $0x4  }
0xac: {  	v36 =	vmul.f32 s15, v40;
	v35 =	vmul.f32 v35, v32;
	_ =	sdelay $0x1  }
0xad: {  	v35 =	vadd.f32 v36, v35  }
0xae: {  	vm4 =	vlt.u32 v33, v8  }
0xaf: {  	v35 =	vnsel vm4, $0x0, v35  }
0xb0: {  	v35 =	vsub.f32 v34, v35;
	_ =	sdelay $0x1  }
0xb1: {  	[tilespmem:s16+$0x400] =	vst v35  }
0xb2: {  	v35 =	vld [tilespmem:$0xA490]  }
0xb3: {  	v41 =	vld [tilespmem:$0x8190];
	_ =	sdelay $0x4  }
0xb4: {  	v36 =	vmul.f32 s15, v41;
	v35 =	vmul.f32 v35, v32;
	_ =	sdelay $0x1  }
0xb5: {  	v35 =	vadd.f32 v36, v35  }
0xb6: {  	vm5 =	vlt.u32 v33, v9  }
0xb7: {  	v35 =	vnsel vm5, $0x0, v35  }
0xb8: {  	v35 =	vsub.f32 v34, v35;
	_ =	sdelay $0x1  }
0xb9: {  	[tilespmem:s16+$0x410] =	vst v35  }
0xba: {  	v35 =	vld [tilespmem:$0xA4A0]  }
0xbb: {  	v42 =	vld [tilespmem:$0x81A0];
	_ =	sdelay $0x4  }
0xbc: {  	v36 =	vmul.f32 s15, v42;
	v35 =	vmul.f32 v35, v32;
	_ =	sdelay $0x1  }
0xbd: {  	v35 =	vadd.f32 v36, v35  }
0xbe: {  	vm6 =	vlt.u32 v33, v10  }
0xbf: {  	v35 =	vnsel vm6, $0x0, v35  }
0xc0: {  	v35 =	vsub.f32 v34, v35;
	_ =	sdelay $0x1  }
0xc1: {  	[tilespmem:s16+$0x420] =	vst v35  }
0xc2: {  	v35 =	vld [tilespmem:$0xA4B0]  }
0xc3: {  	v43 =	vld [tilespmem:$0x81B0];
	_ =	sdelay $0x4  }
0xc4: {  	v36 =	vmul.f32 s15, v43;
	v35 =	vmul.f32 v35, v32;
	_ =	sdelay $0x1  }
0xc5: {  	v35 =	vadd.f32 v36, v35  }
0xc6: {  	vm7 =	vlt.u32 v33, v11  }
0xc7: {  	v35 =	vnsel vm7, $0x0, v35  }
0xc8: {  	v35 =	vsub.f32 v34, v35;
	_ =	sdelay $0x1  }
0xc9: {  	[tilespmem:s16+$0x430] =	vst v35  }
0xca: {  	v35 =	vld [tilespmem:$0xA4C0]  }
0xcb: {  	v44 =	vld [tilespmem:$0x81C0];
	_ =	sdelay $0x4  }
0xcc: {  	v36 =	vmul.f32 s15, v44;
	v35 =	vmul.f32 v35, v32;
	_ =	sdelay $0x1  }
0xcd: {  	v35 =	vadd.f32 v36, v35  }
0xce: {  	vm8 =	vlt.u32 v33, v12  }
0xcf: {  	v35 =	vnsel vm8, $0x0, v35  }
0xd0: {  	v35 =	vsub.f32 v34, v35;
	_ =	sdelay $0x1  }
0xd1: {  	[tilespmem:s16+$0x440] =	vst v35  }
0xd2: {  	v35 =	vld [tilespmem:$0xA4D0]  }
0xd3: {  	v45 =	vld [tilespmem:$0x81D0];
	_ =	sdelay $0x4  }
0xd4: {  	v36 =	vmul.f32 s15, v45;
	v35 =	vmul.f32 v35, v32;
	_ =	sdelay $0x1  }
0xd5: {  	v35 =	vadd.f32 v36, v35  }
0xd6: {  	vm9 =	vlt.u32 v33, v13  }
0xd7: {  	v35 =	vnsel vm9, $0x0, v35  }
0xd8: {  	v35 =	vsub.f32 v34, v35;
	_ =	sdelay $0x1  }
0xd9: {  	[tilespmem:s16+$0x450] =	vst v35  }
0xda: {  	v35 =	vld [tilespmem:$0xA4E0]  }
0xdb: {  	v46 =	vld [tilespmem:$0x81E0];
	_ =	sdelay $0x4  }
0xdc: {  	v36 =	vmul.f32 s15, v46;
	v35 =	vmul.f32 v35, v32;
	_ =	sdelay $0x1  }
0xdd: {  	v35 =	vadd.f32 v36, v35  }
0xde: {  	vm10 =	vlt.u32 v33, v14  }
0xdf: {  	v35 =	vnsel vm10, $0x0, v35  }
0xe0: {  	v35 =	vsub.f32 v34, v35;
	_ =	sdelay $0x1  }
0xe1: {  	[tilespmem:s16+$0x460] =	vst v35  }
0xe2: {  	v35 =	vld [tilespmem:$0xA4F0]  }
0xe3: {  	v47 =	vld [tilespmem:$0x81F0];
	_ =	sdelay $0x4  }
0xe4: {  	v36 =	vmul.f32 s15, v47;
	v35 =	vmul.f32 v35, v32;
	_ =	sdelay $0x1  }
0xe5: {  	v35 =	vadd.f32 v36, v35  }
0xe6: {  	vm11 =	vlt.u32 v33, v15  }
0xe7: {  	v35 =	vnsel vm11, $0x0, v35  }
0xe8: {  	v35 =	vsub.f32 v34, v35;
	_ =	sdelay $0x1  }
0xe9: {  	[tilespmem:s16+$0x470] =	vst v35  }
0xea: {  	v35 =	vld [tilespmem:$0xA500]  }
0xeb: {  	v48 =	vld [tilespmem:$0x8280];
	_ =	sdelay $0x4  }
0xec: {  	v36 =	vmul.f32 s15, v48;
	v35 =	vmul.f32 v35, v32;
	_ =	sdelay $0x1  }
0xed: {  	v35 =	vadd.f32 v36, v35  }
0xee: {  	vm12 =	vlt.u32 v33, v16  }
0xef: {  	v35 =	vnsel vm12, $0x0, v35  }
0xf0: {  	v35 =	vsub.f32 v34, v35;
	_ =	sdelay $0x1  }
0xf1: {  	[tilespmem:s16+$0x800] =	vst v35  }
0xf2: {  	v35 =	vld [tilespmem:$0xA510]  }
0xf3: {  	v49 =	vld [tilespmem:$0x8290];
	_ =	sdelay $0x4  }
0xf4: {  	v36 =	vmul.f32 s15, v49;
	v35 =	vmul.f32 v35, v32;
	_ =	sdelay $0x1  }
0xf5: {  	v35 =	vadd.f32 v36, v35  }
0xf6: {  	vm13 =	vlt.u32 v33, v17  }
0xf7: {  	v35 =	vnsel vm13, $0x0, v35  }
0xf8: {  	v35 =	vsub.f32 v34, v35;
	_ =	sdelay $0x1  }
0xf9: {  	[tilespmem:s16+$0x810] =	vst v35  }
0xfa: {  	v35 =	vld [tilespmem:$0xA520]  }
0xfb: {  	v50 =	vld [tilespmem:$0x82A0];
	_ =	sdelay $0x4  }
0xfc: {  	v36 =	vmul.f32 s15, v50;
	v35 =	vmul.f32 v35, v32;
	_ =	sdelay $0x1  }
0xfd: {  	v35 =	vadd.f32 v36, v35  }
0xfe: {  	vm14 =	vlt.u32 v33, v18  }
0xff: {  	v35 =	vnsel vm14, $0x0, v35  }
0x100: {  	v35 =	vsub.f32 v34, v35;
	_ =	sdelay $0x1  }
0x101: {  	[tilespmem:s16+$0x820] =	vst v35  }
0x102: {  	v35 =	vld [tilespmem:$0xA530]  }
0x103: {  	v51 =	vld [tilespmem:$0x82B0];
	_ =	sdelay $0x4  }
0x104: {  	v36 =	vmul.f32 s15, v51;
	v35 =	vmul.f32 v35, v32;
	_ =	sdelay $0x1  }
0x105: {  	v35 =	vadd.f32 v36, v35  }
0x106: {  	vm15 =	vlt.u32 v33, v19  }
0x107: {  	v35 =	vnsel vm15, $0x0, v35  }
0x108: {  	v35 =	vsub.f32 v34, v35;
	_ =	sdelay $0x1  }
0x109: {  	[tilespmem:s16+$0x830] =	vst v35  }
0x10a: {  	v35 =	vld [tilespmem:$0xA540]  }
0x10b: {  	v52 =	vld [tilespmem:$0x82C0];
	_ =	sdelay $0x4  }
0x10c: {  	v36 =	vmul.f32 s15, v52;
	v35 =	vmul.f32 v35, v32;
	_ =	sdelay $0x1  }
0x10d: {  	v35 =	vadd.f32 v36, v35  }
0x10e: {  	vm4 =	vlt.u32 v33, v20  }
0x10f: {  	v35 =	vnsel vm4, $0x0, v35  }
0x110: {  	v35 =	vsub.f32 v34, v35;
	_ =	sdelay $0x1  }
0x111: {  	[tilespmem:s16+$0x840] =	vst v35  }
0x112: {  	v35 =	vld [tilespmem:$0xA550]  }
0x113: {  	v53 =	vld [tilespmem:$0x82D0];
	_ =	sdelay $0x4  }
0x114: {  	v36 =	vmul.f32 s15, v53;
	v35 =	vmul.f32 v35, v32;
	_ =	sdelay $0x1  }
0x115: {  	v35 =	vadd.f32 v36, v35  }
0x116: {  	vm5 =	vlt.u32 v33, v21  }
0x117: {  	v35 =	vnsel vm5, $0x0, v35  }
0x118: {  	v35 =	vsub.f32 v34, v35;
	_ =	sdelay $0x1  }
0x119: {  	[tilespmem:s16+$0x850] =	vst v35  }
0x11a: {  	v35 =	vld [tilespmem:$0xA560]  }
0x11b: {  	v54 =	vld [tilespmem:$0x82E0];
	_ =	sdelay $0x4  }
0x11c: {  	v36 =	vmul.f32 s15, v54;
	v35 =	vmul.f32 v35, v32;
	_ =	sdelay $0x1  }
0x11d: {  	v35 =	vadd.f32 v36, v35  }
0x11e: {  	vm6 =	vlt.u32 v33, v22  }
0x11f: {  	v35 =	vnsel vm6, $0x0, v35  }
0x120: {  	v35 =	vsub.f32 v34, v35;
	_ =	sdelay $0x1  }
0x121: {  	[tilespmem:s16+$0x860] =	vst v35  }
0x122: {  	v35 =	vld [tilespmem:$0xA570]  }
0x123: {  	v55 =	vld [tilespmem:$0x82F0];
	_ =	sdelay $0x4  }
0x124: {  	v36 =	vmul.f32 s15, v55;
	v35 =	vmul.f32 v35, v32;
	_ =	sdelay $0x1  }
0x125: {  	v35 =	vadd.f32 v36, v35  }
0x126: {  	vm7 =	vlt.u32 v33, v23  }
0x127: {  	v35 =	vnsel vm7, $0x0, v35  }
0x128: {  	v35 =	vsub.f32 v34, v35;
	_ =	sdelay $0x1  }
0x129: {  	[tilespmem:s16+$0x870] =	vst v35  }
0x12a: {  	v35 =	vld [tilespmem:$0xA580]  }
0x12b: {  	v56 =	vld [tilespmem:$0x8380];
	_ =	sdelay $0x4  }
0x12c: {  	v36 =	vmul.f32 s15, v56;
	v35 =	vmul.f32 v35, v32;
	_ =	sdelay $0x1  }
0x12d: {  	v35 =	vadd.f32 v36, v35  }
0x12e: {  	vm8 =	vlt.u32 v33, v24  }
0x12f: {  	v35 =	vnsel vm8, $0x0, v35  }
0x130: {  	v35 =	vsub.f32 v34, v35;
	_ =	sdelay $0x1  }
0x131: {  	[tilespmem:s16+$0xC00] =	vst v35  }
0x132: {  	v35 =	vld [tilespmem:$0xA590]  }
0x133: {  	v57 =	vld [tilespmem:$0x8390];
	_ =	sdelay $0x4  }
0x134: {  	v36 =	vmul.f32 s15, v57;
	v35 =	vmul.f32 v35, v32;
	_ =	sdelay $0x1  }
0x135: {  	v35 =	vadd.f32 v36, v35  }
0x136: {  	vm9 =	vlt.u32 v33, v25  }
0x137: {  	v35 =	vnsel vm9, $0x0, v35  }
0x138: {  	v35 =	vsub.f32 v34, v35;
	_ =	sdelay $0x1  }
0x139: {  	[tilespmem:s16+$0xC10] =	vst v35  }
0x13a: {  	v35 =	vld [tilespmem:$0xA5A0]  }
0x13b: {  	v58 =	vld [tilespmem:$0x83A0];
	_ =	sdelay $0x4  }
0x13c: {  	v36 =	vmul.f32 s15, v58;
	v35 =	vmul.f32 v35, v32;
	_ =	sdelay $0x1  }
0x13d: {  	v35 =	vadd.f32 v36, v35  }
0x13e: {  	vm10 =	vlt.u32 v33, v26  }
0x13f: {  	v35 =	vnsel vm10, $0x0, v35  }
0x140: {  	v35 =	vsub.f32 v34, v35;
	_ =	sdelay $0x1  }
0x141: {  	[tilespmem:s16+$0xC20] =	vst v35  }
0x142: {  	v35 =	vld [tilespmem:$0xA5B0]  }
0x143: {  	v59 =	vld [tilespmem:$0x83B0];
	_ =	sdelay $0x4  }
0x144: {  	v36 =	vmul.f32 s15, v59;
	v35 =	vmul.f32 v35, v32;
	_ =	sdelay $0x1  }
0x145: {  	v35 =	vadd.f32 v36, v35  }
0x146: {  	vm11 =	vlt.u32 v33, v27  }
0x147: {  	v35 =	vnsel vm11, $0x0, v35  }
0x148: {  	v35 =	vsub.f32 v34, v35;
	_ =	sdelay $0x1  }
0x149: {  	[tilespmem:s16+$0xC30] =	vst v35  }
0x14a: {  	v35 =	vld [tilespmem:$0xA5C0]  }
0x14b: {  	v60 =	vld [tilespmem:$0x83C0];
	_ =	sdelay $0x4  }
0x14c: {  	v36 =	vmul.f32 s15, v60;
	v35 =	vmul.f32 v35, v32;
	_ =	sdelay $0x1  }
0x14d: {  	v35 =	vadd.f32 v36, v35  }
0x14e: {  	vm12 =	vlt.u32 v33, v28  }
0x14f: {  	v35 =	vnsel vm12, $0x0, v35  }
0x150: {  	v35 =	vsub.f32 v34, v35;
	_ =	sdelay $0x1  }
0x151: {  	[tilespmem:s16+$0xC40] =	vst v35  }
0x152: {  	v35 =	vld [tilespmem:$0xA5D0]  }
0x153: {  	v61 =	vld [tilespmem:$0x83D0];
	_ =	sdelay $0x4  }
0x154: {  	v36 =	vmul.f32 s15, v61;
	v35 =	vmul.f32 v35, v32;
	_ =	sdelay $0x1  }
0x155: {  	v35 =	vadd.f32 v36, v35  }
0x156: {  	vm13 =	vlt.u32 v33, v29  }
0x157: {  	v35 =	vnsel vm13, $0x0, v35  }
0x158: {  	v35 =	vsub.f32 v34, v35;
	_ =	sdelay $0x1  }
0x159: {  	[tilespmem:s16+$0xC50] =	vst v35  }
0x15a: {  	v35 =	vld [tilespmem:$0xA5E0]  }
0x15b: {  	v62 =	vld [tilespmem:$0x83E0];
	_ =	sdelay $0x4  }
0x15c: {  	v36 =	vmul.f32 s15, v62;
	v35 =	vmul.f32 v35, v32;
	_ =	sdelay $0x1  }
0x15d: {  	v35 =	vadd.f32 v36, v35  }
0x15e: {  	vm14 =	vlt.u32 v33, v30  }
0x15f: {  	v35 =	vnsel vm14, $0x0, v35  }
0x160: {  	v35 =	vsub.f32 v34, v35;
	_ =	sdelay $0x1  }
0x161: {  	[tilespmem:s16+$0xC60] =	vst v35  }
0x162: {  	v35 =	vld [tilespmem:$0xA5F0]  }
0x163: {  	v63 =	vld [tilespmem:$0x83F0];
	_ =	sdelay $0x4  }
0x164: {  	v36 =	vmul.f32 s15, v63;
	v32 =	vmul.f32 v35, v32;
	_ =	sdelay $0x1  }
0x165: {  	p0 =	sne.s32 s14, $0x7E00;
	v32 =	vadd.f32 v36, v32  }
.Ltmp0:
0x166: {  	vm15 =	vlt.u32 v33, v31;
	(pc) =	sbr.rel @p0 .LBB2_2-.Ltmp0, $3  }
0x167: {  	v32 =	vnsel vm15, $0x0, v32  }
0x168: {  	v32 =	vsub.f32 v34, v32;
	_ =	sdelay $0x1  }
0x169: {  	s13 =	sadd.s32 $0x80, s13;
	s14 =	sadd.s32 $0x200, s14;
	s12 =	sadd.s32 $0x1, s12;
	[tilespmem:s16+$0xC70] =	vst v32  }
0x16a: {  	s11 =	sadd.s32 $0x1, s11  }
0x16b: {  	p0 =	sne.s32 s11, s6  }
.Ltmp1:
0x16c: {  	_ = 	snop;
	(pc) =	sbr.rel @p0 .LBB2_1-.Ltmp1, $4  }
0x16d: {  	[hbm4b:s5+s2] =	stream.linear.scatter [tilespmem:s2], [sflag:$0x1], $0x8000, $0x38;
	[tilespmem:$0xA600] =	vst v63  }
0x16e: {  	_ =	swait.ge [sflag:s9], $0x8000  }
0x16f: {  	[sflag:s9] =	ssyncset.done $0x0  }
0x170: {  	[sflag:s9] =	ssyncadd.s32 $0xFFFF8000  }
0x171: {  	_ =	sfence.sel $0x180000  }
0x172: {  	[bflag:$0x0] =	sbarrier.arrive $0xFFFF  }
0x173: {  	p0 =	sne.s32 s1, $0x0;
	_ =	strace $0x90000047  }
0x174: {  	s0 =	sadd.s32 @!p0 $0x100000, s0;
	[bflag:$0x2] =	sbarrier.arrive $0xFFFF  }
0x175: {  	[sflag:s0] =	ssyncadd.tile.s32 @!p0 $0x1;
	_ =	shalt  }
.Lfunc_end2:
_tile_overlayer_lowered:
.L_overlay_start_2:
0x176: {  	(tag) =	ssettag $0x2  }
0x177: {  	s0 =	rddreg [dreg:$0x0];
	s2 =	stileid.u32  }
0x178: {  	s1 =	rddreg [dreg:$0x1];
	p0 =	sne.s32 s2, $0x0  }
0x179: {  	s3 =	rddreg [dreg:$0x2];
	[bflag:$0x3] =	sbarrier.arrive $0xFFFF;
	s2 =	simm.s32 @!p0 $0x1C01  }
0x17a: {  	[timem:s3], [sflag:s2] =	dma.local @!p0 [hbm:s0], s1  }
0x17b: {  	s0 =	simm.s32 @!p0 $0x1  }
0x17c: {  	_ =	swait.ge @!p0 [sflag:s0], s1  }
0x17d: {  	s1 =	ssub.s32 @!p0 $0x0, s1;
	[sflag:s0] =	ssyncset.done @!p0 $0x0  }
0x17e: {  	[sflag:s0] =	ssyncadd.s32 @!p0 s1  }
0x17f: {  	[bflag:$0x3] =	sbarrier.arrive $0xFFFF  }
0x180: {  	_ =	shalt  }

</sc_bundles>
